<compile_context>
chip_gen: v7x
topology: tpu7x:2x2x1
jax: 0.10.2.dev20260603
libtpu: 0.0.44.dev20260713+nightly
codegen_flags: <defaults>
</compile_context>

<pallas_src>
import functools

import jax
import jax.numpy as jnp
from jax import lax
from jax.experimental import pallas as pl
from jax.experimental.pallas import tpu as pltpu
from jax.experimental.pallas import tpu_sc as plsc

NUM_CLASSES = 100000
HIDDEN_SIZE = 64
DROPOUT_PROB = 0.1
BATCH = 16384

NC, NS = 2, 16
NW = NC * NS
ROWS_PER_W = HIDDEN_SIZE // NW
QUARTER = BATCH // 8

_mesh = plsc.VectorSubcoreMesh(
    core_axis_name="c", subcore_axis_name="s", num_cores=NC, num_subcores=NS
)


@functools.partial(
    pl.kernel,
    out_type=jax.ShapeDtypeStruct((HIDDEN_SIZE, BATCH), jnp.float32),
    mesh=_mesh,
    compiler_params=pltpu.CompilerParams(
        use_tc_tiling_on_sc=True,
        needs_layout_passes=False,
        skip_device_barrier=True,
        disable_bounds_checks=True,
        disable_semaphore_checks=True,
    ),
    scratch_types=[
        pltpu.VMEM((NUM_CLASSES + 1,), jnp.float32),
        pltpu.VMEM((BATCH,), jnp.int32),
        pltpu.VMEM((QUARTER,), jnp.float32),
        pltpu.VMEM((QUARTER,), jnp.float32),
        pltpu.SemaphoreType.DMA,
        pltpu.SemaphoreType.DMA,
        pltpu.SemaphoreType.DMA,
    ],
)
def _gather_cols(
    labels_hbm, table_t_hbm, out_t_hbm,
    row_v, idx_v, out_a, out_b, sem_row, sem_idx, sem_out,
):
    wid = lax.axis_index("s") * NC + lax.axis_index("c")
    c0 = wid * ROWS_PER_W
    row_dma = pltpu.async_copy(table_t_hbm.at[c0], row_v, sem_row)
    pltpu.async_copy(labels_hbm, idx_v, sem_idx).wait()
    row_dma.wait()
    out_bufs = (out_a, out_b)
    writes = [None, None]
    for r in range(ROWS_PER_W):
        c = c0 + r
        for q in range(8):
            ob = out_bufs[q % 2]
            w = writes[q % 2]
            if w is not None:
                w.wait()
            base = q * QUARTER

            @plsc.parallel_loop(0, QUARTER, step=16, unroll=8)
            def _(k):
                idx16 = idx_v[pl.ds(base + k, 16)]
                ob[pl.ds(k, 16)] = plsc.load_gather(row_v, [idx16])

            if r == 0 and q == 7:
                row_dma = pltpu.async_copy(
                    table_t_hbm.at[c0 + 1], row_v, sem_row
                )
            writes[q % 2] = pltpu.async_copy(
                ob, out_t_hbm.at[c, pl.ds(base, QUARTER)], sem_out
            )
        if r == 0:
            row_dma.wait()
    for w in writes:
        if w is not None:
            w.wait()


def kernel(labels, train, embedding_table):
    drop_key = jax.random.key(1)
    drop_ids = jax.random.uniform(drop_key, (labels.shape[0],)) < DROPOUT_PROB
    active = (jnp.asarray(train) != 0) & drop_ids
    labels = jnp.where(active, NUM_CLASSES, labels).astype(jnp.int32)
    out_t = _gather_cols(labels, embedding_table.T)
    return out_t.T

# --- scband reference (transcript-rebuilt; emitter-appended) ---
"""Pipeline reference for scband-label-embedder-79328045957483 (READ-ONLY COPY).

The authoritative reference and input builder live on the scoring server;
editing this copy changes nothing except your own understanding.
"""

import jax, jax.numpy as jnp
import numpy as np

NUM_CLASSES = 100000
HIDDEN_SIZE = 64
DROPOUT_PROB = 0.1
BATCH = 16384


def setup_inputs(seed: int = 0) -> dict:
    key = jax.random.key(seed)
    k1, k2 = jax.random.split(key)
    labels = jax.random.randint(k1, (BATCH,), 0, NUM_CLASSES, dtype=jnp.int64 if jax.config.jax_enable_x64 else jnp.int32)
    # nn.Embedding(num_classes + (dropout_prob > 0), hidden_size) -> extra 'null' row for CFG dropout
    embedding_table = jax.random.normal(k2, (NUM_CLASSES + 1, HIDDEN_SIZE), dtype=jnp.float32)
    return {"labels": labels, "train": 0, "embedding_table": embedding_table}


def reference(labels, train, embedding_table):
    # Faithful translation of LabelEmbedder.forward with force_drop_ids=None.
    # train is evaluated at eval time (train=0), so the label-dropout branch is inactive,
    # matching deterministic inference behavior of the torch module.
    use_dropout = DROPOUT_PROB > 0
    if use_dropout:
        drop_key = jax.random.key(1)
        drop_ids = jax.random.uniform(drop_key, (labels.shape[0],)) < DROPOUT_PROB
        active = (jnp.asarray(train) != 0) & drop_ids
        labels = jnp.where(active, NUM_CLASSES, labels)
    # embedding lookup == row gather
    return jnp.take(embedding_table, labels, axis=0)

if __name__ == "__main__":
    import jax
    _d = setup_inputs()
    print(jax.jit(kernel)(*tuple(_d.values())))

</pallas_src>

<mosaic_0001>
#map = affine_map<(d0, d1) -> (0)>
#map1 = affine_map<(d0, d1) -> (0, 0)>
module attributes {stable_mosaic.version = 14 : i64} {
  func.func @_gather_cols(%arg0: i32, %arg1: i32, %arg2: memref<16384xi32, #tpu.memory_space<hbm>>, %arg3: memref<64x100001xf32, #tpu.memory_space<hbm>>, %arg4: memref<64x16384xf32, #tpu.memory_space<hbm>>, %arg5: memref<100001xf32, #tpu.memory_space<vmem>>, %arg6: memref<16384xi32, #tpu.memory_space<vmem>>, %arg7: memref<2048xf32, #tpu.memory_space<vmem>>, %arg8: memref<2048xf32, #tpu.memory_space<vmem>>, %arg9: memref<!tpu.dma_semaphore, #tpu.memory_space<semaphore_mem>>, %arg10: memref<!tpu.dma_semaphore, #tpu.memory_space<semaphore_mem>>, %arg11: memref<!tpu.dma_semaphore, #tpu.memory_space<semaphore_mem>>) attributes {dimension_semantics = [#tpu.dimension_semantics<core_parallel>, #tpu.dimension_semantics<subcore_parallel>], iteration_bounds = array<i64: 2, 16>, scalar_prefetch = 0 : i64, scratch_operands = 7 : i64, tpu.core_type = #tpu.core_type<sc_vector_subcore>, window_params = [{transform_indices = #map}, {transform_indices = #map1}, {transform_indices = #map1}]} {
    %mul3A = arith.constant 2 : i32
    %mul3A_0 = arith.muli %arg1, %mul3A : i32
    %add3A = arith.addi %mul3A_0, %arg0 : i32
    %mul3A_1 = arith.constant 2 : i32
    %mul3A_2 = arith.muli %add3A, %mul3A_1 : i32
    %dma_start3A = arith.constant 0 : i32
    %dma_start3A_3 = tpu.memref_slice %arg3[%mul3A_2, %dma_start3A] : memref<64x100001xf32, #tpu.memory_space<hbm>> -> memref<1x100001xf32, #tpu.memory_space<hbm>>
    %dma_start3A_4 = tpu.memref_squeeze %dma_start3A_3 : memref<1x100001xf32, #tpu.memory_space<hbm>> -> memref<100001xf32, #tpu.memory_space<hbm>>
    %dma_start3A_5 = arith.constant 0 : i32
    %dma_start3A_6 = tpu.memref_slice %arg3[%mul3A_2, %dma_start3A_5] : memref<64x100001xf32, #tpu.memory_space<hbm>> -> memref<1x100001xf32, #tpu.memory_space<hbm>>
    %dma_start3A_7 = tpu.memref_squeeze %dma_start3A_6 : memref<1x100001xf32, #tpu.memory_space<hbm>> -> memref<100001xf32, #tpu.memory_space<hbm>>
    tpu.enqueue_dma source(%dma_start3A_7 : memref<100001xf32, #tpu.memory_space<hbm>>) target(%arg5 : memref<100001xf32, #tpu.memory_space<vmem>>) target_semaphore(%arg9 : memref<!tpu.dma_semaphore, #tpu.memory_space<semaphore_mem>>)
    tpu.enqueue_dma source(%arg2 : memref<16384xi32, #tpu.memory_space<hbm>>) target(%arg6 : memref<16384xi32, #tpu.memory_space<vmem>>) target_semaphore(%arg10 : memref<!tpu.dma_semaphore, #tpu.memory_space<semaphore_mem>>)
    tpu.wait_dma2 semaphore(%arg10 : memref<!tpu.dma_semaphore, #tpu.memory_space<semaphore_mem>>) src(%arg2 : memref<16384xi32, #tpu.memory_space<hbm>>) dst(%arg6 : memref<16384xi32, #tpu.memory_space<vmem>>)
    %dma_wait3A = arith.constant 0 : i32
    %dma_wait3A_8 = tpu.memref_slice %arg3[%mul3A_2, %dma_wait3A] : memref<64x100001xf32, #tpu.memory_space<hbm>> -> memref<1x100001xf32, #tpu.memory_space<hbm>>
    %dma_wait3A_9 = tpu.memref_squeeze %dma_wait3A_8 : memref<1x100001xf32, #tpu.memory_space<hbm>> -> memref<100001xf32, #tpu.memory_space<hbm>>
    %dma_wait3A_10 = arith.constant 0 : i32
    %dma_wait3A_11 = tpu.memref_slice %arg3[%mul3A_2, %dma_wait3A_10] : memref<64x100001xf32, #tpu.memory_space<hbm>> -> memref<1x100001xf32, #tpu.memory_space<hbm>>
    %dma_wait3A_12 = tpu.memref_squeeze %dma_wait3A_11 : memref<1x100001xf32, #tpu.memory_space<hbm>> -> memref<100001xf32, #tpu.memory_space<hbm>>
    tpu.wait_dma2 semaphore(%arg9 : memref<!tpu.dma_semaphore, #tpu.memory_space<semaphore_mem>>) src(%dma_wait3A_12 : memref<100001xf32, #tpu.memory_space<hbm>>) dst(%arg5 : memref<100001xf32, #tpu.memory_space<vmem>>)
    %add3A_13 = arith.constant 0 : i32
    %add3A_14 = arith.addi %mul3A_2, %add3A_13 : i32
    %parallel_loop3A = arith.constant 0 : i32
    %parallel_loop3A_15 = arith.constant 2048 : i32
    %parallel_loop3A_16 = arith.constant 16 : i32
    scf.for %parallel_loop3A_270 = %parallel_loop3A to %parallel_loop3A_15 step %parallel_loop3A_16  : i32 {
      %parallel_loop3A_271 = arith.constant 0 : i32
      %parallel_loop3A_272 = arith.addi %parallel_loop3A_271, %parallel_loop3A_270 : i32
      %parallel_loop3A_273 = arith.index_cast %parallel_loop3A_272 : i32 to index
      %parallel_loop3A_274 = tpu.vector_load %arg6[%parallel_loop3A_273] {strides = array<i32>} : memref<16384xi32, #tpu.memory_space<vmem>>, vector<16xi32>,
      %parallel_loop3A_275 = tpu.vector_load_idx %arg5[%parallel_loop3A_274] : memref<100001xf32, #tpu.memory_space<vmem>>[vector<16xi32>], vector<16xf32>,
      %parallel_loop3A_276 = arith.index_cast %parallel_loop3A_270 : i32 to index
      %parallel_loop3A_277 = tpu.vector_load %arg7[%parallel_loop3A_276] {strides = array<i32>} : memref<2048xf32, #tpu.memory_space<vmem>>, vector<16xf32>,
      tpu.vector_store %arg7[%parallel_loop3A_276], %parallel_loop3A_275 {strides = array<i32>} : memref<2048xf32, #tpu.memory_space<vmem>>, vector<16xf32>,
    } {sc.loop_unroll_factor = 8 : i64, sc.parallel_access}
    %dma_start3A_17 = arith.constant 0 : i32
    %dma_start3A_18 = tpu.memref_slice %arg4[%add3A_14, %dma_start3A_17] : memref<64x16384xf32, #tpu.memory_space<hbm>> -> memref<1x2048xf32, #tpu.memory_space<hbm>>
    %dma_start3A_19 = tpu.memref_squeeze %dma_start3A_18 : memref<1x2048xf32, #tpu.memory_space<hbm>> -> memref<2048xf32, #tpu.memory_space<hbm>>
    %dma_start3A_20 = arith.constant 0 : i32
    %dma_start3A_21 = tpu.memref_slice %arg4[%add3A_14, %dma_start3A_20] : memref<64x16384xf32, #tpu.memory_space<hbm>> -> memref<1x2048xf32, #tpu.memory_space<hbm>>
    %dma_start3A_22 = tpu.memref_squeeze %dma_start3A_21 : memref<1x2048xf32, #tpu.memory_space<hbm>> -> memref<2048xf32, #tpu.memory_space<hbm>>
    tpu.enqueue_dma source(%arg7 : memref<2048xf32, #tpu.memory_space<vmem>>) target(%dma_start3A_22 : memref<2048xf32, #tpu.memory_space<hbm>>) target_semaphore(%arg11 : memref<!tpu.dma_semaphore, #tpu.memory_space<semaphore_mem>>)
    %parallel_loop3A_23 = arith.constant 0 : i32
    %parallel_loop3A_24 = arith.constant 2048 : i32
    %parallel_loop3A_25 = arith.constant 16 : i32
    scf.for %parallel_loop3A_270 = %parallel_loop3A_23 to %parallel_loop3A_24 step %parallel_loop3A_25  : i32 {
      %parallel_loop3A_271 = arith.constant 2048 : i32
      %parallel_loop3A_272 = arith.addi %parallel_loop3A_271, %parallel_loop3A_270 : i32
      %parallel_loop3A_273 = arith.index_cast %parallel_loop3A_272 : i32 to index
      %parallel_loop3A_274 = tpu.vector_load %arg6[%parallel_loop3A_273] {strides = array<i32>} : memref<16384xi32, #tpu.memory_space<vmem>>, vector<16xi32>,
      %parallel_loop3A_275 = tpu.vector_load_idx %arg5[%parallel_loop3A_274] : memref<100001xf32, #tpu.memory_space<vmem>>[vector<16xi32>], vector<16xf32>,
      %parallel_loop3A_276 = arith.index_cast %parallel_loop3A_270 : i32 to index
      %parallel_loop3A_277 = tpu.vector_load %arg8[%parallel_loop3A_276] {strides = array<i32>} : memref<2048xf32, #tpu.memory_space<vmem>>, vector<16xf32>,
      tpu.vector_store %arg8[%parallel_loop3A_276], %parallel_loop3A_275 {strides = array<i32>} : memref<2048xf32, #tpu.memory_space<vmem>>, vector<16xf32>,
    } {sc.loop_unroll_factor = 8 : i64, sc.parallel_access}
    %dma_start3A_26 = arith.constant 2048 : i32
    %dma_start3A_27 = tpu.memref_slice %arg4[%add3A_14, %dma_start3A_26] : memref<64x16384xf32, #tpu.memory_space<hbm>> -> memref<1x2048xf32, #tpu.memory_space<hbm>>
    %dma_start3A_28 = tpu.memref_squeeze %dma_start3A_27 : memref<1x2048xf32, #tpu.memory_space<hbm>> -> memref<2048xf32, #tpu.memory_space<hbm>>
    %dma_start3A_29 = arith.constant 2048 : i32
    %dma_start3A_30 = tpu.memref_slice %arg4[%add3A_14, %dma_start3A_29] : memref<64x16384xf32, #tpu.memory_space<hbm>> -> memref<1x2048xf32, #tpu.memory_space<hbm>>
    %dma_start3A_31 = tpu.memref_squeeze %dma_start3A_30 : memref<1x2048xf32, #tpu.memory_space<hbm>> -> memref<2048xf32, #tpu.memory_space<hbm>>
    tpu.enqueue_dma source(%arg8 : memref<2048xf32, #tpu.memory_space<vmem>>) target(%dma_start3A_31 : memref<2048xf32, #tpu.memory_space<hbm>>) target_semaphore(%arg11 : memref<!tpu.dma_semaphore, #tpu.memory_space<semaphore_mem>>)
    %dma_wait3A_32 = arith.constant 0 : i32
    %dma_wait3A_33 = tpu.memref_slice %arg4[%add3A_14, %dma_wait3A_32] : memref<64x16384xf32, #tpu.memory_space<hbm>> -> memref<1x2048xf32, #tpu.memory_space<hbm>>
    %dma_wait3A_34 = tpu.memref_squeeze %dma_wait3A_33 : memref<1x2048xf32, #tpu.memory_space<hbm>> -> memref<2048xf32, #tpu.memory_space<hbm>>
    %dma_wait3A_35 = arith.constant 0 : i32
    %dma_wait3A_36 = tpu.memref_slice %arg4[%add3A_14, %dma_wait3A_35] : memref<64x16384xf32, #tpu.memory_space<hbm>> -> memref<1x2048xf32, #tpu.memory_space<hbm>>
    %dma_wait3A_37 = tpu.memref_squeeze %dma_wait3A_36 : memref<1x2048xf32, #tpu.memory_space<hbm>> -> memref<2048xf32, #tpu.memory_space<hbm>>
    tpu.wait_dma2 semaphore(%arg11 : memref<!tpu.dma_semaphore, #tpu.memory_space<semaphore_mem>>) src(%arg7 : memref<2048xf32, #tpu.memory_space<vmem>>) dst(%dma_wait3A_37 : memref<2048xf32, #tpu.memory_space<hbm>>)
    %parallel_loop3A_38 = arith.constant 0 : i32
    %parallel_loop3A_39 = arith.constant 2048 : i32
    %parallel_loop3A_40 = arith.constant 16 : i32
    scf.for %parallel_loop3A_270 = %parallel_loop3A_38 to %parallel_loop3A_39 step %parallel_loop3A_40  : i32 {
      %parallel_loop3A_271 = arith.constant 4096 : i32
      %parallel_loop3A_272 = arith.addi %parallel_loop3A_271, %parallel_loop3A_270 : i32
      %parallel_loop3A_273 = arith.index_cast %parallel_loop3A_272 : i32 to index
      %parallel_loop3A_274 = tpu.vector_load %arg6[%parallel_loop3A_273] {strides = array<i32>} : memref<16384xi32, #tpu.memory_space<vmem>>, vector<16xi32>,
      %parallel_loop3A_275 = tpu.vector_load_idx %arg5[%parallel_loop3A_274] : memref<100001xf32, #tpu.memory_space<vmem>>[vector<16xi32>], vector<16xf32>,
      %parallel_loop3A_276 = arith.index_cast %parallel_loop3A_270 : i32 to index
      %parallel_loop3A_277 = tpu.vector_load %arg7[%parallel_loop3A_276] {strides = array<i32>} : memref<2048xf32, #tpu.memory_space<vmem>>, vector<16xf32>,
      tpu.vector_store %arg7[%parallel_loop3A_276], %parallel_loop3A_275 {strides = array<i32>} : memref<2048xf32, #tpu.memory_space<vmem>>, vector<16xf32>,
    } {sc.loop_unroll_factor = 8 : i64, sc.parallel_access}
    %dma_start3A_41 = arith.constant 4096 : i32
    %dma_start3A_42 = tpu.memref_slice %arg4[%add3A_14, %dma_start3A_41] : memref<64x16384xf32, #tpu.memory_space<hbm>> -> memref<1x2048xf32, #tpu.memory_space<hbm>>
    %dma_start3A_43 = tpu.memref_squeeze %dma_start3A_42 : memref<1x2048xf32, #tpu.memory_space<hbm>> -> memref<2048xf32, #tpu.memory_space<hbm>>
    %dma_start3A_44 = arith.constant 4096 : i32
    %dma_start3A_45 = tpu.memref_slice %arg4[%add3A_14, %dma_start3A_44] : memref<64x16384xf32, #tpu.memory_space<hbm>> -> memref<1x2048xf32, #tpu.memory_space<hbm>>
    %dma_start3A_46 = tpu.memref_squeeze %dma_start3A_45 : memref<1x2048xf32, #tpu.memory_space<hbm>> -> memref<2048xf32, #tpu.memory_space<hbm>>
    tpu.enqueue_dma source(%arg7 : memref<2048xf32, #tpu.memory_space<vmem>>) target(%dma_start3A_46 : memref<2048xf32, #tpu.memory_space<hbm>>) target_semaphore(%arg11 : memref<!tpu.dma_semaphore, #tpu.memory_space<semaphore_mem>>)
    %dma_wait3A_47 = arith.constant 2048 : i32
    %dma_wait3A_48 = tpu.memref_slice %arg4[%add3A_14, %dma_wait3A_47] : memref<64x16384xf32, #tpu.memory_space<hbm>> -> memref<1x2048xf32, #tpu.memory_space<hbm>>
    %dma_wait3A_49 = tpu.memref_squeeze %dma_wait3A_48 : memref<1x2048xf32, #tpu.memory_space<hbm>> -> memref<2048xf32, #tpu.memory_space<hbm>>
    %dma_wait3A_50 = arith.constant 2048 : i32
    %dma_wait3A_51 = tpu.memref_slice %arg4[%add3A_14, %dma_wait3A_50] : memref<64x16384xf32, #tpu.memory_space<hbm>> -> memref<1x2048xf32, #tpu.memory_space<hbm>>
    %dma_wait3A_52 = tpu.memref_squeeze %dma_wait3A_51 : memref<1x2048xf32, #tpu.memory_space<hbm>> -> memref<2048xf32, #tpu.memory_space<hbm>>
    tpu.wait_dma2 semaphore(%arg11 : memref<!tpu.dma_semaphore, #tpu.memory_space<semaphore_mem>>) src(%arg8 : memref<2048xf32, #tpu.memory_space<vmem>>) dst(%dma_wait3A_52 : memref<2048xf32, #tpu.memory_space<hbm>>)
    %parallel_loop3A_53 = arith.constant 0 : i32
    %parallel_loop3A_54 = arith.constant 2048 : i32
    %parallel_loop3A_55 = arith.constant 16 : i32
    scf.for %parallel_loop3A_270 = %parallel_loop3A_53 to %parallel_loop3A_54 step %parallel_loop3A_55  : i32 {
      %parallel_loop3A_271 = arith.constant 6144 : i32
      %parallel_loop3A_272 = arith.addi %parallel_loop3A_271, %parallel_loop3A_270 : i32
      %parallel_loop3A_273 = arith.index_cast %parallel_loop3A_272 : i32 to index
      %parallel_loop3A_274 = tpu.vector_load %arg6[%parallel_loop3A_273] {strides = array<i32>} : memref<16384xi32, #tpu.memory_space<vmem>>, vector<16xi32>,
      %parallel_loop3A_275 = tpu.vector_load_idx %arg5[%parallel_loop3A_274] : memref<100001xf32, #tpu.memory_space<vmem>>[vector<16xi32>], vector<16xf32>,
      %parallel_loop3A_276 = arith.index_cast %parallel_loop3A_270 : i32 to index
      %parallel_loop3A_277 = tpu.vector_load %arg8[%parallel_loop3A_276] {strides = array<i32>} : memref<2048xf32, #tpu.memory_space<vmem>>, vector<16xf32>,
      tpu.vector_store %arg8[%parallel_loop3A_276], %parallel_loop3A_275 {strides = array<i32>} : memref<2048xf32, #tpu.memory_space<vmem>>, vector<16xf32>,
    } {sc.loop_unroll_factor = 8 : i64, sc.parallel_access}
    %dma_start3A_56 = arith.constant 6144 : i32
    %dma_start3A_57 = tpu.memref_slice %arg4[%add3A_14, %dma_start3A_56] : memref<64x16384xf32, #tpu.memory_space<hbm>> -> memref<1x2048xf32, #tpu.memory_space<hbm>>
    %dma_start3A_58 = tpu.memref_squeeze %dma_start3A_57 : memref<1x2048xf32, #tpu.memory_space<hbm>> -> memref<2048xf32, #tpu.memory_space<hbm>>
    %dma_start3A_59 = arith.constant 6144 : i32
    %dma_start3A_60 = tpu.memref_slice %arg4[%add3A_14, %dma_start3A_59] : memref<64x16384xf32, #tpu.memory_space<hbm>> -> memref<1x2048xf32, #tpu.memory_space<hbm>>
    %dma_start3A_61 = tpu.memref_squeeze %dma_start3A_60 : memref<1x2048xf32, #tpu.memory_space<hbm>> -> memref<2048xf32, #tpu.memory_space<hbm>>
    tpu.enqueue_dma source(%arg8 : memref<2048xf32, #tpu.memory_space<vmem>>) target(%dma_start3A_61 : memref<2048xf32, #tpu.memory_space<hbm>>) target_semaphore(%arg11 : memref<!tpu.dma_semaphore, #tpu.memory_space<semaphore_mem>>)
    %dma_wait3A_62 = arith.constant 4096 : i32
    %dma_wait3A_63 = tpu.memref_slice %arg4[%add3A_14, %dma_wait3A_62] : memref<64x16384xf32, #tpu.memory_space<hbm>> -> memref<1x2048xf32, #tpu.memory_space<hbm>>
    %dma_wait3A_64 = tpu.memref_squeeze %dma_wait3A_63 : memref<1x2048xf32, #tpu.memory_space<hbm>> -> memref<2048xf32, #tpu.memory_space<hbm>>
    %dma_wait3A_65 = arith.constant 4096 : i32
    %dma_wait3A_66 = tpu.memref_slice %arg4[%add3A_14, %dma_wait3A_65] : memref<64x16384xf32, #tpu.memory_space<hbm>> -> memref<1x2048xf32, #tpu.memory_space<hbm>>
    %dma_wait3A_67 = tpu.memref_squeeze %dma_wait3A_66 : memref<1x2048xf32, #tpu.memory_space<hbm>> -> memref<2048xf32, #tpu.memory_space<hbm>>
    tpu.wait_dma2 semaphore(%arg11 : memref<!tpu.dma_semaphore, #tpu.memory_space<semaphore_mem>>) src(%arg7 : memref<2048xf32, #tpu.memory_space<vmem>>) dst(%dma_wait3A_67 : memref<2048xf32, #tpu.memory_space<hbm>>)
    %parallel_loop3A_68 = arith.constant 0 : i32
    %parallel_loop3A_69 = arith.constant 2048 : i32
    %parallel_loop3A_70 = arith.constant 16 : i32
    scf.for %parallel_loop3A_270 = %parallel_loop3A_68 to %parallel_loop3A_69 step %parallel_loop3A_70  : i32 {
      %parallel_loop3A_271 = arith.constant 8192 : i32
      %parallel_loop3A_272 = arith.addi %parallel_loop3A_271, %parallel_loop3A_270 : i32
      %parallel_loop3A_273 = arith.index_cast %parallel_loop3A_272 : i32 to index
      %parallel_loop3A_274 = tpu.vector_load %arg6[%parallel_loop3A_273] {strides = array<i32>} : memref<16384xi32, #tpu.memory_space<vmem>>, vector<16xi32>,
      %parallel_loop3A_275 = tpu.vector_load_idx %arg5[%parallel_loop3A_274] : memref<100001xf32, #tpu.memory_space<vmem>>[vector<16xi32>], vector<16xf32>,
      %parallel_loop3A_276 = arith.index_cast %parallel_loop3A_270 : i32 to index
      %parallel_loop3A_277 = tpu.vector_load %arg7[%parallel_loop3A_276] {strides = array<i32>} : memref<2048xf32, #tpu.memory_space<vmem>>, vector<16xf32>,
      tpu.vector_store %arg7[%parallel_loop3A_276], %parallel_loop3A_275 {strides = array<i32>} : memref<2048xf32, #tpu.memory_space<vmem>>, vector<16xf32>,
    } {sc.loop_unroll_factor = 8 : i64, sc.parallel_access}
    %dma_start3A_71 = arith.constant 8192 : i32
    %dma_start3A_72 = tpu.memref_slice %arg4[%add3A_14, %dma_start3A_71] : memref<64x16384xf32, #tpu.memory_space<hbm>> -> memref<1x2048xf32, #tpu.memory_space<hbm>>
    %dma_start3A_73 = tpu.memref_squeeze %dma_start3A_72 : memref<1x2048xf32, #tpu.memory_space<hbm>> -> memref<2048xf32, #tpu.memory_space<hbm>>
    %dma_start3A_74 = arith.constant 8192 : i32
    %dma_start3A_75 = tpu.memref_slice %arg4[%add3A_14, %dma_start3A_74] : memref<64x16384xf32, #tpu.memory_space<hbm>> -> memref<1x2048xf32, #tpu.memory_space<hbm>>
    %dma_start3A_76 = tpu.memref_squeeze %dma_start3A_75 : memref<1x2048xf32, #tpu.memory_space<hbm>> -> memref<2048xf32, #tpu.memory_space<hbm>>
    tpu.enqueue_dma source(%arg7 : memref<2048xf32, #tpu.memory_space<vmem>>) target(%dma_start3A_76 : memref<2048xf32, #tpu.memory_space<hbm>>) target_semaphore(%arg11 : memref<!tpu.dma_semaphore, #tpu.memory_space<semaphore_mem>>)
    %dma_wait3A_77 = arith.constant 6144 : i32
    %dma_wait3A_78 = tpu.memref_slice %arg4[%add3A_14, %dma_wait3A_77] : memref<64x16384xf32, #tpu.memory_space<hbm>> -> memref<1x2048xf32, #tpu.memory_space<hbm>>
    %dma_wait3A_79 = tpu.memref_squeeze %dma_wait3A_78 : memref<1x2048xf32, #tpu.memory_space<hbm>> -> memref<2048xf32, #tpu.memory_space<hbm>>
    %dma_wait3A_80 = arith.constant 6144 : i32
    %dma_wait3A_81 = tpu.memref_slice %arg4[%add3A_14, %dma_wait3A_80] : memref<64x16384xf32, #tpu.memory_space<hbm>> -> memref<1x2048xf32, #tpu.memory_space<hbm>>
    %dma_wait3A_82 = tpu.memref_squeeze %dma_wait3A_81 : memref<1x2048xf32, #tpu.memory_space<hbm>> -> memref<2048xf32, #tpu.memory_space<hbm>>
    tpu.wait_dma2 semaphore(%arg11 : memref<!tpu.dma_semaphore, #tpu.memory_space<semaphore_mem>>) src(%arg8 : memref<2048xf32, #tpu.memory_space<vmem>>) dst(%dma_wait3A_82 : memref<2048xf32, #tpu.memory_space<hbm>>)
    %parallel_loop3A_83 = arith.constant 0 : i32
    %parallel_loop3A_84 = arith.constant 2048 : i32
    %parallel_loop3A_85 = arith.constant 16 : i32
    scf.for %parallel_loop3A_270 = %parallel_loop3A_83 to %parallel_loop3A_84 step %parallel_loop3A_85  : i32 {
      %parallel_loop3A_271 = arith.constant 10240 : i32
      %parallel_loop3A_272 = arith.addi %parallel_loop3A_271, %parallel_loop3A_270 : i32
      %parallel_loop3A_273 = arith.index_cast %parallel_loop3A_272 : i32 to index
      %parallel_loop3A_274 = tpu.vector_load %arg6[%parallel_loop3A_273] {strides = array<i32>} : memref<16384xi32, #tpu.memory_space<vmem>>, vector<16xi32>,
      %parallel_loop3A_275 = tpu.vector_load_idx %arg5[%parallel_loop3A_274] : memref<100001xf32, #tpu.memory_space<vmem>>[vector<16xi32>], vector<16xf32>,
      %parallel_loop3A_276 = arith.index_cast %parallel_loop3A_270 : i32 to index
      %parallel_loop3A_277 = tpu.vector_load %arg8[%parallel_loop3A_276] {strides = array<i32>} : memref<2048xf32, #tpu.memory_space<vmem>>, vector<16xf32>,
      tpu.vector_store %arg8[%parallel_loop3A_276], %parallel_loop3A_275 {strides = array<i32>} : memref<2048xf32, #tpu.memory_space<vmem>>, vector<16xf32>,
    } {sc.loop_unroll_factor = 8 : i64, sc.parallel_access}
    %dma_start3A_86 = arith.constant 10240 : i32
    %dma_start3A_87 = tpu.memref_slice %arg4[%add3A_14, %dma_start3A_86] : memref<64x16384xf32, #tpu.memory_space<hbm>> -> memref<1x2048xf32, #tpu.memory_space<hbm>>
    %dma_start3A_88 = tpu.memref_squeeze %dma_start3A_87 : memref<1x2048xf32, #tpu.memory_space<hbm>> -> memref<2048xf32, #tpu.memory_space<hbm>>
    %dma_start3A_89 = arith.constant 10240 : i32
    %dma_start3A_90 = tpu.memref_slice %arg4[%add3A_14, %dma_start3A_89] : memref<64x16384xf32, #tpu.memory_space<hbm>> -> memref<1x2048xf32, #tpu.memory_space<hbm>>
    %dma_start3A_91 = tpu.memref_squeeze %dma_start3A_90 : memref<1x2048xf32, #tpu.memory_space<hbm>> -> memref<2048xf32, #tpu.memory_space<hbm>>
    tpu.enqueue_dma source(%arg8 : memref<2048xf32, #tpu.memory_space<vmem>>) target(%dma_start3A_91 : memref<2048xf32, #tpu.memory_space<hbm>>) target_semaphore(%arg11 : memref<!tpu.dma_semaphore, #tpu.memory_space<semaphore_mem>>)
    %dma_wait3A_92 = arith.constant 8192 : i32
    %dma_wait3A_93 = tpu.memref_slice %arg4[%add3A_14, %dma_wait3A_92] : memref<64x16384xf32, #tpu.memory_space<hbm>> -> memref<1x2048xf32, #tpu.memory_space<hbm>>
    %dma_wait3A_94 = tpu.memref_squeeze %dma_wait3A_93 : memref<1x2048xf32, #tpu.memory_space<hbm>> -> memref<2048xf32, #tpu.memory_space<hbm>>
    %dma_wait3A_95 = arith.constant 8192 : i32
    %dma_wait3A_96 = tpu.memref_slice %arg4[%add3A_14, %dma_wait3A_95] : memref<64x16384xf32, #tpu.memory_space<hbm>> -> memref<1x2048xf32, #tpu.memory_space<hbm>>
    %dma_wait3A_97 = tpu.memref_squeeze %dma_wait3A_96 : memref<1x2048xf32, #tpu.memory_space<hbm>> -> memref<2048xf32, #tpu.memory_space<hbm>>
    tpu.wait_dma2 semaphore(%arg11 : memref<!tpu.dma_semaphore, #tpu.memory_space<semaphore_mem>>) src(%arg7 : memref<2048xf32, #tpu.memory_space<vmem>>) dst(%dma_wait3A_97 : memref<2048xf32, #tpu.memory_space<hbm>>)
    %parallel_loop3A_98 = arith.constant 0 : i32
    %parallel_loop3A_99 = arith.constant 2048 : i32
    %parallel_loop3A_100 = arith.constant 16 : i32
    scf.for %parallel_loop3A_270 = %parallel_loop3A_98 to %parallel_loop3A_99 step %parallel_loop3A_100  : i32 {
      %parallel_loop3A_271 = arith.constant 12288 : i32
      %parallel_loop3A_272 = arith.addi %parallel_loop3A_271, %parallel_loop3A_270 : i32
      %parallel_loop3A_273 = arith.index_cast %parallel_loop3A_272 : i32 to index
      %parallel_loop3A_274 = tpu.vector_load %arg6[%parallel_loop3A_273] {strides = array<i32>} : memref<16384xi32, #tpu.memory_space<vmem>>, vector<16xi32>,
      %parallel_loop3A_275 = tpu.vector_load_idx %arg5[%parallel_loop3A_274] : memref<100001xf32, #tpu.memory_space<vmem>>[vector<16xi32>], vector<16xf32>,
      %parallel_loop3A_276 = arith.index_cast %parallel_loop3A_270 : i32 to index
      %parallel_loop3A_277 = tpu.vector_load %arg7[%parallel_loop3A_276] {strides = array<i32>} : memref<2048xf32, #tpu.memory_space<vmem>>, vector<16xf32>,
      tpu.vector_store %arg7[%parallel_loop3A_276], %parallel_loop3A_275 {strides = array<i32>} : memref<2048xf32, #tpu.memory_space<vmem>>, vector<16xf32>,
    } {sc.loop_unroll_factor = 8 : i64, sc.parallel_access}
    %dma_start3A_101 = arith.constant 12288 : i32
    %dma_start3A_102 = tpu.memref_slice %arg4[%add3A_14, %dma_start3A_101] : memref<64x16384xf32, #tpu.memory_space<hbm>> -> memref<1x2048xf32, #tpu.memory_space<hbm>>
    %dma_start3A_103 = tpu.memref_squeeze %dma_start3A_102 : memref<1x2048xf32, #tpu.memory_space<hbm>> -> memref<2048xf32, #tpu.memory_space<hbm>>
    %dma_start3A_104 = arith.constant 12288 : i32
    %dma_start3A_105 = tpu.memref_slice %arg4[%add3A_14, %dma_start3A_104] : memref<64x16384xf32, #tpu.memory_space<hbm>> -> memref<1x2048xf32, #tpu.memory_space<hbm>>
    %dma_start3A_106 = tpu.memref_squeeze %dma_start3A_105 : memref<1x2048xf32, #tpu.memory_space<hbm>> -> memref<2048xf32, #tpu.memory_space<hbm>>
    tpu.enqueue_dma source(%arg7 : memref<2048xf32, #tpu.memory_space<vmem>>) target(%dma_start3A_106 : memref<2048xf32, #tpu.memory_space<hbm>>) target_semaphore(%arg11 : memref<!tpu.dma_semaphore, #tpu.memory_space<semaphore_mem>>)
    %dma_wait3A_107 = arith.constant 10240 : i32
    %dma_wait3A_108 = tpu.memref_slice %arg4[%add3A_14, %dma_wait3A_107] : memref<64x16384xf32, #tpu.memory_space<hbm>> -> memref<1x2048xf32, #tpu.memory_space<hbm>>
    %dma_wait3A_109 = tpu.memref_squeeze %dma_wait3A_108 : memref<1x2048xf32, #tpu.memory_space<hbm>> -> memref<2048xf32, #tpu.memory_space<hbm>>
    %dma_wait3A_110 = arith.constant 10240 : i32
    %dma_wait3A_111 = tpu.memref_slice %arg4[%add3A_14, %dma_wait3A_110] : memref<64x16384xf32, #tpu.memory_space<hbm>> -> memref<1x2048xf32, #tpu.memory_space<hbm>>
    %dma_wait3A_112 = tpu.memref_squeeze %dma_wait3A_111 : memref<1x2048xf32, #tpu.memory_space<hbm>> -> memref<2048xf32, #tpu.memory_space<hbm>>
    tpu.wait_dma2 semaphore(%arg11 : memref<!tpu.dma_semaphore, #tpu.memory_space<semaphore_mem>>) src(%arg8 : memref<2048xf32, #tpu.memory_space<vmem>>) dst(%dma_wait3A_112 : memref<2048xf32, #tpu.memory_space<hbm>>)
    %parallel_loop3A_113 = arith.constant 0 : i32
    %parallel_loop3A_114 = arith.constant 2048 : i32
    %parallel_loop3A_115 = arith.constant 16 : i32
    scf.for %parallel_loop3A_270 = %parallel_loop3A_113 to %parallel_loop3A_114 step %parallel_loop3A_115  : i32 {
      %parallel_loop3A_271 = arith.constant 14336 : i32
      %parallel_loop3A_272 = arith.addi %parallel_loop3A_271, %parallel_loop3A_270 : i32
      %parallel_loop3A_273 = arith.index_cast %parallel_loop3A_272 : i32 to index
      %parallel_loop3A_274 = tpu.vector_load %arg6[%parallel_loop3A_273] {strides = array<i32>} : memref<16384xi32, #tpu.memory_space<vmem>>, vector<16xi32>,
      %parallel_loop3A_275 = tpu.vector_load_idx %arg5[%parallel_loop3A_274] : memref<100001xf32, #tpu.memory_space<vmem>>[vector<16xi32>], vector<16xf32>,
      %parallel_loop3A_276 = arith.index_cast %parallel_loop3A_270 : i32 to index
      %parallel_loop3A_277 = tpu.vector_load %arg8[%parallel_loop3A_276] {strides = array<i32>} : memref<2048xf32, #tpu.memory_space<vmem>>, vector<16xf32>,
      tpu.vector_store %arg8[%parallel_loop3A_276], %parallel_loop3A_275 {strides = array<i32>} : memref<2048xf32, #tpu.memory_space<vmem>>, vector<16xf32>,
    } {sc.loop_unroll_factor = 8 : i64, sc.parallel_access}
    %add3A_116 = arith.constant 1 : i32
    %add3A_117 = arith.addi %mul3A_2, %add3A_116 : i32
    %dma_start3A_118 = arith.constant 0 : i32
    %dma_start3A_119 = tpu.memref_slice %arg3[%add3A_117, %dma_start3A_118] : memref<64x100001xf32, #tpu.memory_space<hbm>> -> memref<1x100001xf32, #tpu.memory_space<hbm>>
    %dma_start3A_120 = tpu.memref_squeeze %dma_start3A_119 : memref<1x100001xf32, #tpu.memory_space<hbm>> -> memref<100001xf32, #tpu.memory_space<hbm>>
    %dma_start3A_121 = arith.constant 0 : i32
    %dma_start3A_122 = tpu.memref_slice %arg3[%add3A_117, %dma_start3A_121] : memref<64x100001xf32, #tpu.memory_space<hbm>> -> memref<1x100001xf32, #tpu.memory_space<hbm>>
    %dma_start3A_123 = tpu.memref_squeeze %dma_start3A_122 : memref<1x100001xf32, #tpu.memory_space<hbm>> -> memref<100001xf32, #tpu.memory_space<hbm>>
    tpu.enqueue_dma source(%dma_start3A_123 : memref<100001xf32, #tpu.memory_space<hbm>>) target(%arg5 : memref<100001xf32, #tpu.memory_space<vmem>>) target_semaphore(%arg9 : memref<!tpu.dma_semaphore, #tpu.memory_space<semaphore_mem>>)
    %dma_start3A_124 = arith.constant 14336 : i32
    %dma_start3A_125 = tpu.memref_slice %arg4[%add3A_14, %dma_start3A_124] : memref<64x16384xf32, #tpu.memory_space<hbm>> -> memref<1x2048xf32, #tpu.memory_space<hbm>>
    %dma_start3A_126 = tpu.memref_squeeze %dma_start3A_125 : memref<1x2048xf32, #tpu.memory_space<hbm>> -> memref<2048xf32, #tpu.memory_space<hbm>>
    %dma_start3A_127 = arith.constant 14336 : i32
    %dma_start3A_128 = tpu.memref_slice %arg4[%add3A_14, %dma_start3A_127] : memref<64x16384xf32, #tpu.memory_space<hbm>> -> memref<1x2048xf32, #tpu.memory_space<hbm>>
    %dma_start3A_129 = tpu.memref_squeeze %dma_start3A_128 : memref<1x2048xf32, #tpu.memory_space<hbm>> -> memref<2048xf32, #tpu.memory_space<hbm>>
    tpu.enqueue_dma source(%arg8 : memref<2048xf32, #tpu.memory_space<vmem>>) target(%dma_start3A_129 : memref<2048xf32, #tpu.memory_space<hbm>>) target_semaphore(%arg11 : memref<!tpu.dma_semaphore, #tpu.memory_space<semaphore_mem>>)
    %dma_wait3A_130 = arith.constant 0 : i32
    %dma_wait3A_131 = tpu.memref_slice %arg3[%add3A_117, %dma_wait3A_130] : memref<64x100001xf32, #tpu.memory_space<hbm>> -> memref<1x100001xf32, #tpu.memory_space<hbm>>
    %dma_wait3A_132 = tpu.memref_squeeze %dma_wait3A_131 : memref<1x100001xf32, #tpu.memory_space<hbm>> -> memref<100001xf32, #tpu.memory_space<hbm>>
    %dma_wait3A_133 = arith.constant 0 : i32
    %dma_wait3A_134 = tpu.memref_slice %arg3[%add3A_117, %dma_wait3A_133] : memref<64x100001xf32, #tpu.memory_space<hbm>> -> memref<1x100001xf32, #tpu.memory_space<hbm>>
    %dma_wait3A_135 = tpu.memref_squeeze %dma_wait3A_134 : memref<1x100001xf32, #tpu.memory_space<hbm>> -> memref<100001xf32, #tpu.memory_space<hbm>>
    tpu.wait_dma2 semaphore(%arg9 : memref<!tpu.dma_semaphore, #tpu.memory_space<semaphore_mem>>) src(%dma_wait3A_135 : memref<100001xf32, #tpu.memory_space<hbm>>) dst(%arg5 : memref<100001xf32, #tpu.memory_space<vmem>>)
    %add3A_136 = arith.constant 1 : i32
    %add3A_137 = arith.addi %mul3A_2, %add3A_136 : i32
    %dma_wait3A_138 = arith.constant 12288 : i32
    %dma_wait3A_139 = tpu.memref_slice %arg4[%add3A_14, %dma_wait3A_138] : memref<64x16384xf32, #tpu.memory_space<hbm>> -> memref<1x2048xf32, #tpu.memory_space<hbm>>
    %dma_wait3A_140 = tpu.memref_squeeze %dma_wait3A_139 : memref<1x2048xf32, #tpu.memory_space<hbm>> -> memref<2048xf32, #tpu.memory_space<hbm>>
    %dma_wait3A_141 = arith.constant 12288 : i32
    %dma_wait3A_142 = tpu.memref_slice %arg4[%add3A_14, %dma_wait3A_141] : memref<64x16384xf32, #tpu.memory_space<hbm>> -> memref<1x2048xf32, #tpu.memory_space<hbm>>
    %dma_wait3A_143 = tpu.memref_squeeze %dma_wait3A_142 : memref<1x2048xf32, #tpu.memory_space<hbm>> -> memref<2048xf32, #tpu.memory_space<hbm>>
    tpu.wait_dma2 semaphore(%arg11 : memref<!tpu.dma_semaphore, #tpu.memory_space<semaphore_mem>>) src(%arg7 : memref<2048xf32, #tpu.memory_space<vmem>>) dst(%dma_wait3A_143 : memref<2048xf32, #tpu.memory_space<hbm>>)
    %parallel_loop3A_144 = arith.constant 0 : i32
    %parallel_loop3A_145 = arith.constant 2048 : i32
    %parallel_loop3A_146 = arith.constant 16 : i32
    scf.for %parallel_loop3A_270 = %parallel_loop3A_144 to %parallel_loop3A_145 step %parallel_loop3A_146  : i32 {
      %parallel_loop3A_271 = arith.constant 0 : i32
      %parallel_loop3A_272 = arith.addi %parallel_loop3A_271, %parallel_loop3A_270 : i32
      %parallel_loop3A_273 = arith.index_cast %parallel_loop3A_272 : i32 to index
      %parallel_loop3A_274 = tpu.vector_load %arg6[%parallel_loop3A_273] {strides = array<i32>} : memref<16384xi32, #tpu.memory_space<vmem>>, vector<16xi32>,
      %parallel_loop3A_275 = tpu.vector_load_idx %arg5[%parallel_loop3A_274] : memref<100001xf32, #tpu.memory_space<vmem>>[vector<16xi32>], vector<16xf32>,
      %parallel_loop3A_276 = arith.index_cast %parallel_loop3A_270 : i32 to index
      %parallel_loop3A_277 = tpu.vector_load %arg7[%parallel_loop3A_276] {strides = array<i32>} : memref<2048xf32, #tpu.memory_space<vmem>>, vector<16xf32>,
      tpu.vector_store %arg7[%parallel_loop3A_276], %parallel_loop3A_275 {strides = array<i32>} : memref<2048xf32, #tpu.memory_space<vmem>>, vector<16xf32>,
    } {sc.loop_unroll_factor = 8 : i64, sc.parallel_access}
    %dma_start3A_147 = arith.constant 0 : i32
    %dma_start3A_148 = tpu.memref_slice %arg4[%add3A_137, %dma_start3A_147] : memref<64x16384xf32, #tpu.memory_space<hbm>> -> memref<1x2048xf32, #tpu.memory_space<hbm>>
    %dma_start3A_149 = tpu.memref_squeeze %dma_start3A_148 : memref<1x2048xf32, #tpu.memory_space<hbm>> -> memref<2048xf32, #tpu.memory_space<hbm>>
    %dma_start3A_150 = arith.constant 0 : i32
    %dma_start3A_151 = tpu.memref_slice %arg4[%add3A_137, %dma_start3A_150] : memref<64x16384xf32, #tpu.memory_space<hbm>> -> memref<1x2048xf32, #tpu.memory_space<hbm>>
    %dma_start3A_152 = tpu.memref_squeeze %dma_start3A_151 : memref<1x2048xf32, #tpu.memory_space<hbm>> -> memref<2048xf32, #tpu.memory_space<hbm>>
    tpu.enqueue_dma source(%arg7 : memref<2048xf32, #tpu.memory_space<vmem>>) target(%dma_start3A_152 : memref<2048xf32, #tpu.memory_space<hbm>>) target_semaphore(%arg11 : memref<!tpu.dma_semaphore, #tpu.memory_space<semaphore_mem>>)
    %dma_wait3A_153 = arith.constant 14336 : i32
    %dma_wait3A_154 = tpu.memref_slice %arg4[%add3A_14, %dma_wait3A_153] : memref<64x16384xf32, #tpu.memory_space<hbm>> -> memref<1x2048xf32, #tpu.memory_space<hbm>>
    %dma_wait3A_155 = tpu.memref_squeeze %dma_wait3A_154 : memref<1x2048xf32, #tpu.memory_space<hbm>> -> memref<2048xf32, #tpu.memory_space<hbm>>
    %dma_wait3A_156 = arith.constant 14336 : i32
    %dma_wait3A_157 = tpu.memref_slice %arg4[%add3A_14, %dma_wait3A_156] : memref<64x16384xf32, #tpu.memory_space<hbm>> -> memref<1x2048xf32, #tpu.memory_space<hbm>>
    %dma_wait3A_158 = tpu.memref_squeeze %dma_wait3A_157 : memref<1x2048xf32, #tpu.memory_space<hbm>> -> memref<2048xf32, #tpu.memory_space<hbm>>
    tpu.wait_dma2 semaphore(%arg11 : memref<!tpu.dma_semaphore, #tpu.memory_space<semaphore_mem>>) src(%arg8 : memref<2048xf32, #tpu.memory_space<vmem>>) dst(%dma_wait3A_158 : memref<2048xf32, #tpu.memory_space<hbm>>)
    %parallel_loop3A_159 = arith.constant 0 : i32
    %parallel_loop3A_160 = arith.constant 2048 : i32
    %parallel_loop3A_161 = arith.constant 16 : i32
    scf.for %parallel_loop3A_270 = %parallel_loop3A_159 to %parallel_loop3A_160 step %parallel_loop3A_161  : i32 {
      %parallel_loop3A_271 = arith.constant 2048 : i32
      %parallel_loop3A_272 = arith.addi %parallel_loop3A_271, %parallel_loop3A_270 : i32
      %parallel_loop3A_273 = arith.index_cast %parallel_loop3A_272 : i32 to index
      %parallel_loop3A_274 = tpu.vector_load %arg6[%parallel_loop3A_273] {strides = array<i32>} : memref<16384xi32, #tpu.memory_space<vmem>>, vector<16xi32>,
      %parallel_loop3A_275 = tpu.vector_load_idx %arg5[%parallel_loop3A_274] : memref<100001xf32, #tpu.memory_space<vmem>>[vector<16xi32>], vector<16xf32>,
      %parallel_loop3A_276 = arith.index_cast %parallel_loop3A_270 : i32 to index
      %parallel_loop3A_277 = tpu.vector_load %arg8[%parallel_loop3A_276] {strides = array<i32>} : memref<2048xf32, #tpu.memory_space<vmem>>, vector<16xf32>,
      tpu.vector_store %arg8[%parallel_loop3A_276], %parallel_loop3A_275 {strides = array<i32>} : memref<2048xf32, #tpu.memory_space<vmem>>, vector<16xf32>,
    } {sc.loop_unroll_factor = 8 : i64, sc.parallel_access}
    %dma_start3A_162 = arith.constant 2048 : i32
    %dma_start3A_163 = tpu.memref_slice %arg4[%add3A_137, %dma_start3A_162] : memref<64x16384xf32, #tpu.memory_space<hbm>> -> memref<1x2048xf32, #tpu.memory_space<hbm>>
    %dma_start3A_164 = tpu.memref_squeeze %dma_start3A_163 : memref<1x2048xf32, #tpu.memory_space<hbm>> -> memref<2048xf32, #tpu.memory_space<hbm>>
    %dma_start3A_165 = arith.constant 2048 : i32
    %dma_start3A_166 = tpu.memref_slice %arg4[%add3A_137, %dma_start3A_165] : memref<64x16384xf32, #tpu.memory_space<hbm>> -> memref<1x2048xf32, #tpu.memory_space<hbm>>
    %dma_start3A_167 = tpu.memref_squeeze %dma_start3A_166 : memref<1x2048xf32, #tpu.memory_space<hbm>> -> memref<2048xf32, #tpu.memory_space<hbm>>
    tpu.enqueue_dma source(%arg8 : memref<2048xf32, #tpu.memory_space<vmem>>) target(%dma_start3A_167 : memref<2048xf32, #tpu.memory_space<hbm>>) target_semaphore(%arg11 : memref<!tpu.dma_semaphore, #tpu.memory_space<semaphore_mem>>)
    %dma_wait3A_168 = arith.constant 0 : i32
    %dma_wait3A_169 = tpu.memref_slice %arg4[%add3A_137, %dma_wait3A_168] : memref<64x16384xf32, #tpu.memory_space<hbm>> -> memref<1x2048xf32, #tpu.memory_space<hbm>>
    %dma_wait3A_170 = tpu.memref_squeeze %dma_wait3A_169 : memref<1x2048xf32, #tpu.memory_space<hbm>> -> memref<2048xf32, #tpu.memory_space<hbm>>
    %dma_wait3A_171 = arith.constant 0 : i32
    %dma_wait3A_172 = tpu.memref_slice %arg4[%add3A_137, %dma_wait3A_171] : memref<64x16384xf32, #tpu.memory_space<hbm>> -> memref<1x2048xf32, #tpu.memory_space<hbm>>
    %dma_wait3A_173 = tpu.memref_squeeze %dma_wait3A_172 : memref<1x2048xf32, #tpu.memory_space<hbm>> -> memref<2048xf32, #tpu.memory_space<hbm>>
    tpu.wait_dma2 semaphore(%arg11 : memref<!tpu.dma_semaphore, #tpu.memory_space<semaphore_mem>>) src(%arg7 : memref<2048xf32, #tpu.memory_space<vmem>>) dst(%dma_wait3A_173 : memref<2048xf32, #tpu.memory_space<hbm>>)
    %parallel_loop3A_174 = arith.constant 0 : i32
    %parallel_loop3A_175 = arith.constant 2048 : i32
    %parallel_loop3A_176 = arith.constant 16 : i32
    scf.for %parallel_loop3A_270 = %parallel_loop3A_174 to %parallel_loop3A_175 step %parallel_loop3A_176  : i32 {
      %parallel_loop3A_271 = arith.constant 4096 : i32
      %parallel_loop3A_272 = arith.addi %parallel_loop3A_271, %parallel_loop3A_270 : i32
      %parallel_loop3A_273 = arith.index_cast %parallel_loop3A_272 : i32 to index
      %parallel_loop3A_274 = tpu.vector_load %arg6[%parallel_loop3A_273] {strides = array<i32>} : memref<16384xi32, #tpu.memory_space<vmem>>, vector<16xi32>,
      %parallel_loop3A_275 = tpu.vector_load_idx %arg5[%parallel_loop3A_274] : memref<100001xf32, #tpu.memory_space<vmem>>[vector<16xi32>], vector<16xf32>,
      %parallel_loop3A_276 = arith.index_cast %parallel_loop3A_270 : i32 to index
      %parallel_loop3A_277 = tpu.vector_load %arg7[%parallel_loop3A_276] {strides = array<i32>} : memref<2048xf32, #tpu.memory_space<vmem>>, vector<16xf32>,
      tpu.vector_store %arg7[%parallel_loop3A_276], %parallel_loop3A_275 {strides = array<i32>} : memref<2048xf32, #tpu.memory_space<vmem>>, vector<16xf32>,
    } {sc.loop_unroll_factor = 8 : i64, sc.parallel_access}
    %dma_start3A_177 = arith.constant 4096 : i32
    %dma_start3A_178 = tpu.memref_slice %arg4[%add3A_137, %dma_start3A_177] : memref<64x16384xf32, #tpu.memory_space<hbm>> -> memref<1x2048xf32, #tpu.memory_space<hbm>>
    %dma_start3A_179 = tpu.memref_squeeze %dma_start3A_178 : memref<1x2048xf32, #tpu.memory_space<hbm>> -> memref<2048xf32, #tpu.memory_space<hbm>>
    %dma_start3A_180 = arith.constant 4096 : i32
    %dma_start3A_181 = tpu.memref_slice %arg4[%add3A_137, %dma_start3A_180] : memref<64x16384xf32, #tpu.memory_space<hbm>> -> memref<1x2048xf32, #tpu.memory_space<hbm>>
    %dma_start3A_182 = tpu.memref_squeeze %dma_start3A_181 : memref<1x2048xf32, #tpu.memory_space<hbm>> -> memref<2048xf32, #tpu.memory_space<hbm>>
    tpu.enqueue_dma source(%arg7 : memref<2048xf32, #tpu.memory_space<vmem>>) target(%dma_start3A_182 : memref<2048xf32, #tpu.memory_space<hbm>>) target_semaphore(%arg11 : memref<!tpu.dma_semaphore, #tpu.memory_space<semaphore_mem>>)
    %dma_wait3A_183 = arith.constant 2048 : i32
    %dma_wait3A_184 = tpu.memref_slice %arg4[%add3A_137, %dma_wait3A_183] : memref<64x16384xf32, #tpu.memory_space<hbm>> -> memref<1x2048xf32, #tpu.memory_space<hbm>>
    %dma_wait3A_185 = tpu.memref_squeeze %dma_wait3A_184 : memref<1x2048xf32, #tpu.memory_space<hbm>> -> memref<2048xf32, #tpu.memory_space<hbm>>
    %dma_wait3A_186 = arith.constant 2048 : i32
    %dma_wait3A_187 = tpu.memref_slice %arg4[%add3A_137, %dma_wait3A_186] : memref<64x16384xf32, #tpu.memory_space<hbm>> -> memref<1x2048xf32, #tpu.memory_space<hbm>>
    %dma_wait3A_188 = tpu.memref_squeeze %dma_wait3A_187 : memref<1x2048xf32, #tpu.memory_space<hbm>> -> memref<2048xf32, #tpu.memory_space<hbm>>
    tpu.wait_dma2 semaphore(%arg11 : memref<!tpu.dma_semaphore, #tpu.memory_space<semaphore_mem>>) src(%arg8 : memref<2048xf32, #tpu.memory_space<vmem>>) dst(%dma_wait3A_188 : memref<2048xf32, #tpu.memory_space<hbm>>)
    %parallel_loop3A_189 = arith.constant 0 : i32
    %parallel_loop3A_190 = arith.constant 2048 : i32
    %parallel_loop3A_191 = arith.constant 16 : i32
    scf.for %parallel_loop3A_270 = %parallel_loop3A_189 to %parallel_loop3A_190 step %parallel_loop3A_191  : i32 {
      %parallel_loop3A_271 = arith.constant 6144 : i32
      %parallel_loop3A_272 = arith.addi %parallel_loop3A_271, %parallel_loop3A_270 : i32
      %parallel_loop3A_273 = arith.index_cast %parallel_loop3A_272 : i32 to index
      %parallel_loop3A_274 = tpu.vector_load %arg6[%parallel_loop3A_273] {strides = array<i32>} : memref<16384xi32, #tpu.memory_space<vmem>>, vector<16xi32>,
      %parallel_loop3A_275 = tpu.vector_load_idx %arg5[%parallel_loop3A_274] : memref<100001xf32, #tpu.memory_space<vmem>>[vector<16xi32>], vector<16xf32>,
      %parallel_loop3A_276 = arith.index_cast %parallel_loop3A_270 : i32 to index
      %parallel_loop3A_277 = tpu.vector_load %arg8[%parallel_loop3A_276] {strides = array<i32>} : memref<2048xf32, #tpu.memory_space<vmem>>, vector<16xf32>,
      tpu.vector_store %arg8[%parallel_loop3A_276], %parallel_loop3A_275 {strides = array<i32>} : memref<2048xf32, #tpu.memory_space<vmem>>, vector<16xf32>,
    } {sc.loop_unroll_factor = 8 : i64, sc.parallel_access}
    %dma_start3A_192 = arith.constant 6144 : i32
    %dma_start3A_193 = tpu.memref_slice %arg4[%add3A_137, %dma_start3A_192] : memref<64x16384xf32, #tpu.memory_space<hbm>> -> memref<1x2048xf32, #tpu.memory_space<hbm>>
    %dma_start3A_194 = tpu.memref_squeeze %dma_start3A_193 : memref<1x2048xf32, #tpu.memory_space<hbm>> -> memref<2048xf32, #tpu.memory_space<hbm>>
    %dma_start3A_195 = arith.constant 6144 : i32
    %dma_start3A_196 = tpu.memref_slice %arg4[%add3A_137, %dma_start3A_195] : memref<64x16384xf32, #tpu.memory_space<hbm>> -> memref<1x2048xf32, #tpu.memory_space<hbm>>
    %dma_start3A_197 = tpu.memref_squeeze %dma_start3A_196 : memref<1x2048xf32, #tpu.memory_space<hbm>> -> memref<2048xf32, #tpu.memory_space<hbm>>
    tpu.enqueue_dma source(%arg8 : memref<2048xf32, #tpu.memory_space<vmem>>) target(%dma_start3A_197 : memref<2048xf32, #tpu.memory_space<hbm>>) target_semaphore(%arg11 : memref<!tpu.dma_semaphore, #tpu.memory_space<semaphore_mem>>)
    %dma_wait3A_198 = arith.constant 4096 : i32
    %dma_wait3A_199 = tpu.memref_slice %arg4[%add3A_137, %dma_wait3A_198] : memref<64x16384xf32, #tpu.memory_space<hbm>> -> memref<1x2048xf32, #tpu.memory_space<hbm>>
    %dma_wait3A_200 = tpu.memref_squeeze %dma_wait3A_199 : memref<1x2048xf32, #tpu.memory_space<hbm>> -> memref<2048xf32, #tpu.memory_space<hbm>>
    %dma_wait3A_201 = arith.constant 4096 : i32
    %dma_wait3A_202 = tpu.memref_slice %arg4[%add3A_137, %dma_wait3A_201] : memref<64x16384xf32, #tpu.memory_space<hbm>> -> memref<1x2048xf32, #tpu.memory_space<hbm>>
    %dma_wait3A_203 = tpu.memref_squeeze %dma_wait3A_202 : memref<1x2048xf32, #tpu.memory_space<hbm>> -> memref<2048xf32, #tpu.memory_space<hbm>>
    tpu.wait_dma2 semaphore(%arg11 : memref<!tpu.dma_semaphore, #tpu.memory_space<semaphore_mem>>) src(%arg7 : memref<2048xf32, #tpu.memory_space<vmem>>) dst(%dma_wait3A_203 : memref<2048xf32, #tpu.memory_space<hbm>>)
    %parallel_loop3A_204 = arith.constant 0 : i32
    %parallel_loop3A_205 = arith.constant 2048 : i32
    %parallel_loop3A_206 = arith.constant 16 : i32
    scf.for %parallel_loop3A_270 = %parallel_loop3A_204 to %parallel_loop3A_205 step %parallel_loop3A_206  : i32 {
      %parallel_loop3A_271 = arith.constant 8192 : i32
      %parallel_loop3A_272 = arith.addi %parallel_loop3A_271, %parallel_loop3A_270 : i32
      %parallel_loop3A_273 = arith.index_cast %parallel_loop3A_272 : i32 to index
      %parallel_loop3A_274 = tpu.vector_load %arg6[%parallel_loop3A_273] {strides = array<i32>} : memref<16384xi32, #tpu.memory_space<vmem>>, vector<16xi32>,
      %parallel_loop3A_275 = tpu.vector_load_idx %arg5[%parallel_loop3A_274] : memref<100001xf32, #tpu.memory_space<vmem>>[vector<16xi32>], vector<16xf32>,
      %parallel_loop3A_276 = arith.index_cast %parallel_loop3A_270 : i32 to index
      %parallel_loop3A_277 = tpu.vector_load %arg7[%parallel_loop3A_276] {strides = array<i32>} : memref<2048xf32, #tpu.memory_space<vmem>>, vector<16xf32>,
      tpu.vector_store %arg7[%parallel_loop3A_276], %parallel_loop3A_275 {strides = array<i32>} : memref<2048xf32, #tpu.memory_space<vmem>>, vector<16xf32>,
    } {sc.loop_unroll_factor = 8 : i64, sc.parallel_access}
    %dma_start3A_207 = arith.constant 8192 : i32
    %dma_start3A_208 = tpu.memref_slice %arg4[%add3A_137, %dma_start3A_207] : memref<64x16384xf32, #tpu.memory_space<hbm>> -> memref<1x2048xf32, #tpu.memory_space<hbm>>
    %dma_start3A_209 = tpu.memref_squeeze %dma_start3A_208 : memref<1x2048xf32, #tpu.memory_space<hbm>> -> memref<2048xf32, #tpu.memory_space<hbm>>
    %dma_start3A_210 = arith.constant 8192 : i32
    %dma_start3A_211 = tpu.memref_slice %arg4[%add3A_137, %dma_start3A_210] : memref<64x16384xf32, #tpu.memory_space<hbm>> -> memref<1x2048xf32, #tpu.memory_space<hbm>>
    %dma_start3A_212 = tpu.memref_squeeze %dma_start3A_211 : memref<1x2048xf32, #tpu.memory_space<hbm>> -> memref<2048xf32, #tpu.memory_space<hbm>>
    tpu.enqueue_dma source(%arg7 : memref<2048xf32, #tpu.memory_space<vmem>>) target(%dma_start3A_212 : memref<2048xf32, #tpu.memory_space<hbm>>) target_semaphore(%arg11 : memref<!tpu.dma_semaphore, #tpu.memory_space<semaphore_mem>>)
    %dma_wait3A_213 = arith.constant 6144 : i32
    %dma_wait3A_214 = tpu.memref_slice %arg4[%add3A_137, %dma_wait3A_213] : memref<64x16384xf32, #tpu.memory_space<hbm>> -> memref<1x2048xf32, #tpu.memory_space<hbm>>
    %dma_wait3A_215 = tpu.memref_squeeze %dma_wait3A_214 : memref<1x2048xf32, #tpu.memory_space<hbm>> -> memref<2048xf32, #tpu.memory_space<hbm>>
    %dma_wait3A_216 = arith.constant 6144 : i32
    %dma_wait3A_217 = tpu.memref_slice %arg4[%add3A_137, %dma_wait3A_216] : memref<64x16384xf32, #tpu.memory_space<hbm>> -> memref<1x2048xf32, #tpu.memory_space<hbm>>
    %dma_wait3A_218 = tpu.memref_squeeze %dma_wait3A_217 : memref<1x2048xf32, #tpu.memory_space<hbm>> -> memref<2048xf32, #tpu.memory_space<hbm>>
    tpu.wait_dma2 semaphore(%arg11 : memref<!tpu.dma_semaphore, #tpu.memory_space<semaphore_mem>>) src(%arg8 : memref<2048xf32, #tpu.memory_space<vmem>>) dst(%dma_wait3A_218 : memref<2048xf32, #tpu.memory_space<hbm>>)
    %parallel_loop3A_219 = arith.constant 0 : i32
    %parallel_loop3A_220 = arith.constant 2048 : i32
    %parallel_loop3A_221 = arith.constant 16 : i32
    scf.for %parallel_loop3A_270 = %parallel_loop3A_219 to %parallel_loop3A_220 step %parallel_loop3A_221  : i32 {
      %parallel_loop3A_271 = arith.constant 10240 : i32
      %parallel_loop3A_272 = arith.addi %parallel_loop3A_271, %parallel_loop3A_270 : i32
      %parallel_loop3A_273 = arith.index_cast %parallel_loop3A_272 : i32 to index
      %parallel_loop3A_274 = tpu.vector_load %arg6[%parallel_loop3A_273] {strides = array<i32>} : memref<16384xi32, #tpu.memory_space<vmem>>, vector<16xi32>,
      %parallel_loop3A_275 = tpu.vector_load_idx %arg5[%parallel_loop3A_274] : memref<100001xf32, #tpu.memory_space<vmem>>[vector<16xi32>], vector<16xf32>,
      %parallel_loop3A_276 = arith.index_cast %parallel_loop3A_270 : i32 to index
      %parallel_loop3A_277 = tpu.vector_load %arg8[%parallel_loop3A_276] {strides = array<i32>} : memref<2048xf32, #tpu.memory_space<vmem>>, vector<16xf32>,
      tpu.vector_store %arg8[%parallel_loop3A_276], %parallel_loop3A_275 {strides = array<i32>} : memref<2048xf32, #tpu.memory_space<vmem>>, vector<16xf32>,
    } {sc.loop_unroll_factor = 8 : i64, sc.parallel_access}
    %dma_start3A_222 = arith.constant 10240 : i32
    %dma_start3A_223 = tpu.memref_slice %arg4[%add3A_137, %dma_start3A_222] : memref<64x16384xf32, #tpu.memory_space<hbm>> -> memref<1x2048xf32, #tpu.memory_space<hbm>>
    %dma_start3A_224 = tpu.memref_squeeze %dma_start3A_223 : memref<1x2048xf32, #tpu.memory_space<hbm>> -> memref<2048xf32, #tpu.memory_space<hbm>>
    %dma_start3A_225 = arith.constant 10240 : i32
    %dma_start3A_226 = tpu.memref_slice %arg4[%add3A_137, %dma_start3A_225] : memref<64x16384xf32, #tpu.memory_space<hbm>> -> memref<1x2048xf32, #tpu.memory_space<hbm>>
    %dma_start3A_227 = tpu.memref_squeeze %dma_start3A_226 : memref<1x2048xf32, #tpu.memory_space<hbm>> -> memref<2048xf32, #tpu.memory_space<hbm>>
    tpu.enqueue_dma source(%arg8 : memref<2048xf32, #tpu.memory_space<vmem>>) target(%dma_start3A_227 : memref<2048xf32, #tpu.memory_space<hbm>>) target_semaphore(%arg11 : memref<!tpu.dma_semaphore, #tpu.memory_space<semaphore_mem>>)
    %dma_wait3A_228 = arith.constant 8192 : i32
    %dma_wait3A_229 = tpu.memref_slice %arg4[%add3A_137, %dma_wait3A_228] : memref<64x16384xf32, #tpu.memory_space<hbm>> -> memref<1x2048xf32, #tpu.memory_space<hbm>>
    %dma_wait3A_230 = tpu.memref_squeeze %dma_wait3A_229 : memref<1x2048xf32, #tpu.memory_space<hbm>> -> memref<2048xf32, #tpu.memory_space<hbm>>
    %dma_wait3A_231 = arith.constant 8192 : i32
    %dma_wait3A_232 = tpu.memref_slice %arg4[%add3A_137, %dma_wait3A_231] : memref<64x16384xf32, #tpu.memory_space<hbm>> -> memref<1x2048xf32, #tpu.memory_space<hbm>>
    %dma_wait3A_233 = tpu.memref_squeeze %dma_wait3A_232 : memref<1x2048xf32, #tpu.memory_space<hbm>> -> memref<2048xf32, #tpu.memory_space<hbm>>
    tpu.wait_dma2 semaphore(%arg11 : memref<!tpu.dma_semaphore, #tpu.memory_space<semaphore_mem>>) src(%arg7 : memref<2048xf32, #tpu.memory_space<vmem>>) dst(%dma_wait3A_233 : memref<2048xf32, #tpu.memory_space<hbm>>)
    %parallel_loop3A_234 = arith.constant 0 : i32
    %parallel_loop3A_235 = arith.constant 2048 : i32
    %parallel_loop3A_236 = arith.constant 16 : i32
    scf.for %parallel_loop3A_270 = %parallel_loop3A_234 to %parallel_loop3A_235 step %parallel_loop3A_236  : i32 {
      %parallel_loop3A_271 = arith.constant 12288 : i32
      %parallel_loop3A_272 = arith.addi %parallel_loop3A_271, %parallel_loop3A_270 : i32
      %parallel_loop3A_273 = arith.index_cast %parallel_loop3A_272 : i32 to index
      %parallel_loop3A_274 = tpu.vector_load %arg6[%parallel_loop3A_273] {strides = array<i32>} : memref<16384xi32, #tpu.memory_space<vmem>>, vector<16xi32>,
      %parallel_loop3A_275 = tpu.vector_load_idx %arg5[%parallel_loop3A_274] : memref<100001xf32, #tpu.memory_space<vmem>>[vector<16xi32>], vector<16xf32>,
      %parallel_loop3A_276 = arith.index_cast %parallel_loop3A_270 : i32 to index
      %parallel_loop3A_277 = tpu.vector_load %arg7[%parallel_loop3A_276] {strides = array<i32>} : memref<2048xf32, #tpu.memory_space<vmem>>, vector<16xf32>,
      tpu.vector_store %arg7[%parallel_loop3A_276], %parallel_loop3A_275 {strides = array<i32>} : memref<2048xf32, #tpu.memory_space<vmem>>, vector<16xf32>,
    } {sc.loop_unroll_factor = 8 : i64, sc.parallel_access}
    %dma_start3A_237 = arith.constant 12288 : i32
    %dma_start3A_238 = tpu.memref_slice %arg4[%add3A_137, %dma_start3A_237] : memref<64x16384xf32, #tpu.memory_space<hbm>> -> memref<1x2048xf32, #tpu.memory_space<hbm>>
    %dma_start3A_239 = tpu.memref_squeeze %dma_start3A_238 : memref<1x2048xf32, #tpu.memory_space<hbm>> -> memref<2048xf32, #tpu.memory_space<hbm>>
    %dma_start3A_240 = arith.constant 12288 : i32
    %dma_start3A_241 = tpu.memref_slice %arg4[%add3A_137, %dma_start3A_240] : memref<64x16384xf32, #tpu.memory_space<hbm>> -> memref<1x2048xf32, #tpu.memory_space<hbm>>
    %dma_start3A_242 = tpu.memref_squeeze %dma_start3A_241 : memref<1x2048xf32, #tpu.memory_space<hbm>> -> memref<2048xf32, #tpu.memory_space<hbm>>
    tpu.enqueue_dma source(%arg7 : memref<2048xf32, #tpu.memory_space<vmem>>) target(%dma_start3A_242 : memref<2048xf32, #tpu.memory_space<hbm>>) target_semaphore(%arg11 : memref<!tpu.dma_semaphore, #tpu.memory_space<semaphore_mem>>)
    %dma_wait3A_243 = arith.constant 10240 : i32
    %dma_wait3A_244 = tpu.memref_slice %arg4[%add3A_137, %dma_wait3A_243] : memref<64x16384xf32, #tpu.memory_space<hbm>> -> memref<1x2048xf32, #tpu.memory_space<hbm>>
    %dma_wait3A_245 = tpu.memref_squeeze %dma_wait3A_244 : memref<1x2048xf32, #tpu.memory_space<hbm>> -> memref<2048xf32, #tpu.memory_space<hbm>>
    %dma_wait3A_246 = arith.constant 10240 : i32
    %dma_wait3A_247 = tpu.memref_slice %arg4[%add3A_137, %dma_wait3A_246] : memref<64x16384xf32, #tpu.memory_space<hbm>> -> memref<1x2048xf32, #tpu.memory_space<hbm>>
    %dma_wait3A_248 = tpu.memref_squeeze %dma_wait3A_247 : memref<1x2048xf32, #tpu.memory_space<hbm>> -> memref<2048xf32, #tpu.memory_space<hbm>>
    tpu.wait_dma2 semaphore(%arg11 : memref<!tpu.dma_semaphore, #tpu.memory_space<semaphore_mem>>) src(%arg8 : memref<2048xf32, #tpu.memory_space<vmem>>) dst(%dma_wait3A_248 : memref<2048xf32, #tpu.memory_space<hbm>>)
    %parallel_loop3A_249 = arith.constant 0 : i32
    %parallel_loop3A_250 = arith.constant 2048 : i32
    %parallel_loop3A_251 = arith.constant 16 : i32
    scf.for %parallel_loop3A_270 = %parallel_loop3A_249 to %parallel_loop3A_250 step %parallel_loop3A_251  : i32 {
      %parallel_loop3A_271 = arith.constant 14336 : i32
      %parallel_loop3A_272 = arith.addi %parallel_loop3A_271, %parallel_loop3A_270 : i32
      %parallel_loop3A_273 = arith.index_cast %parallel_loop3A_272 : i32 to index
      %parallel_loop3A_274 = tpu.vector_load %arg6[%parallel_loop3A_273] {strides = array<i32>} : memref<16384xi32, #tpu.memory_space<vmem>>, vector<16xi32>,
      %parallel_loop3A_275 = tpu.vector_load_idx %arg5[%parallel_loop3A_274] : memref<100001xf32, #tpu.memory_space<vmem>>[vector<16xi32>], vector<16xf32>,
      %parallel_loop3A_276 = arith.index_cast %parallel_loop3A_270 : i32 to index
      %parallel_loop3A_277 = tpu.vector_load %arg8[%parallel_loop3A_276] {strides = array<i32>} : memref<2048xf32, #tpu.memory_space<vmem>>, vector<16xf32>,
      tpu.vector_store %arg8[%parallel_loop3A_276], %parallel_loop3A_275 {strides = array<i32>} : memref<2048xf32, #tpu.memory_space<vmem>>, vector<16xf32>,
    } {sc.loop_unroll_factor = 8 : i64, sc.parallel_access}
    %dma_start3A_252 = arith.constant 14336 : i32
    %dma_start3A_253 = tpu.memref_slice %arg4[%add3A_137, %dma_start3A_252] : memref<64x16384xf32, #tpu.memory_space<hbm>> -> memref<1x2048xf32, #tpu.memory_space<hbm>>
    %dma_start3A_254 = tpu.memref_squeeze %dma_start3A_253 : memref<1x2048xf32, #tpu.memory_space<hbm>> -> memref<2048xf32, #tpu.memory_space<hbm>>
    %dma_start3A_255 = arith.constant 14336 : i32
    %dma_start3A_256 = tpu.memref_slice %arg4[%add3A_137, %dma_start3A_255] : memref<64x16384xf32, #tpu.memory_space<hbm>> -> memref<1x2048xf32, #tpu.memory_space<hbm>>
    %dma_start3A_257 = tpu.memref_squeeze %dma_start3A_256 : memref<1x2048xf32, #tpu.memory_space<hbm>> -> memref<2048xf32, #tpu.memory_space<hbm>>
    tpu.enqueue_dma source(%arg8 : memref<2048xf32, #tpu.memory_space<vmem>>) target(%dma_start3A_257 : memref<2048xf32, #tpu.memory_space<hbm>>) target_semaphore(%arg11 : memref<!tpu.dma_semaphore, #tpu.memory_space<semaphore_mem>>)
    %dma_wait3A_258 = arith.constant 12288 : i32
    %dma_wait3A_259 = tpu.memref_slice %arg4[%add3A_137, %dma_wait3A_258] : memref<64x16384xf32, #tpu.memory_space<hbm>> -> memref<1x2048xf32, #tpu.memory_space<hbm>>
    %dma_wait3A_260 = tpu.memref_squeeze %dma_wait3A_259 : memref<1x2048xf32, #tpu.memory_space<hbm>> -> memref<2048xf32, #tpu.memory_space<hbm>>
    %dma_wait3A_261 = arith.constant 12288 : i32
    %dma_wait3A_262 = tpu.memref_slice %arg4[%add3A_137, %dma_wait3A_261] : memref<64x16384xf32, #tpu.memory_space<hbm>> -> memref<1x2048xf32, #tpu.memory_space<hbm>>
    %dma_wait3A_263 = tpu.memref_squeeze %dma_wait3A_262 : memref<1x2048xf32, #tpu.memory_space<hbm>> -> memref<2048xf32, #tpu.memory_space<hbm>>
    tpu.wait_dma2 semaphore(%arg11 : memref<!tpu.dma_semaphore, #tpu.memory_space<semaphore_mem>>) src(%arg7 : memref<2048xf32, #tpu.memory_space<vmem>>) dst(%dma_wait3A_263 : memref<2048xf32, #tpu.memory_space<hbm>>)
    %dma_wait3A_264 = arith.constant 14336 : i32
    %dma_wait3A_265 = tpu.memref_slice %arg4[%add3A_137, %dma_wait3A_264] : memref<64x16384xf32, #tpu.memory_space<hbm>> -> memref<1x2048xf32, #tpu.memory_space<hbm>>
    %dma_wait3A_266 = tpu.memref_squeeze %dma_wait3A_265 : memref<1x2048xf32, #tpu.memory_space<hbm>> -> memref<2048xf32, #tpu.memory_space<hbm>>
    %dma_wait3A_267 = arith.constant 14336 : i32
    %dma_wait3A_268 = tpu.memref_slice %arg4[%add3A_137, %dma_wait3A_267] : memref<64x16384xf32, #tpu.memory_space<hbm>> -> memref<1x2048xf32, #tpu.memory_space<hbm>>
    %dma_wait3A_269 = tpu.memref_squeeze %dma_wait3A_268 : memref<1x2048xf32, #tpu.memory_space<hbm>> -> memref<2048xf32, #tpu.memory_space<hbm>>
    tpu.wait_dma2 semaphore(%arg11 : memref<!tpu.dma_semaphore, #tpu.memory_space<semaphore_mem>>) src(%arg8 : memref<2048xf32, #tpu.memory_space<vmem>>) dst(%dma_wait3A_269 : memref<2048xf32, #tpu.memory_space<hbm>>)
    return
  }
}

</mosaic_0001>

<sc_bundles>
// kernel: kernel.3.cloned.1.call-start
scs
__scs_entry_jumppad:
0x0: {  	(pc) =	sbr.rel $0x88, $3  }
0x1: {  	(tag) =	ssettag $0x0;
	lr =	simm.s32 $0x1  }
0x2: {  	[smem:$0x3F9E] =	sst lr;
	_ =	strace $0xD0000000  }
0x3: {  	_ = 	snop  }
0x4: {  	_ = 	snop  }
0x5: {  	_ = 	snop  }
0x6: {  	_ = 	snop  }
0x7: {  	_ = 	snop  }
__scs_overlays_trampoline_lowered:
0x8: {  	[smem:$0x3FAD] =	sst s0  }
0x9: {  	[smem:$0x3FAE] =	sst s1  }
0xa: {  	[smem:$0x3FAF] =	sst s2  }
0xb: {  	[smem:$0x3FB0] =	sst s3  }
0xc: {  	[smem:$0x3FB1] =	sst s4  }
0xd: {  	[smem:$0x3FB2] =	sst s5  }
0xe: {  	[smem:$0x3FB3] =	sst s6  }
0xf: {  	[smem:$0x3FB4] =	sst s7  }
0x10: {  	[smem:$0x3FB5] =	sst s8  }
0x11: {  	[smem:$0x3FB6] =	sst s9;
	s0 =	simm.s32 @!p0 $0x0  }
0x12: {  	s1 =	sld [smem:$0x3F9C];
	s0 =	simm.s32 @p0 $0x1  }
0x13: {  	[smem:$0x3FB7] =	sst s0;
	s0 =	simm.s32 @!p1 $0x0  }
0x14: {  	s2 =	sld [smem:$0x3F9B];
	s0 =	simm.s32 @p1 $0x1  }
0x15: {  	[smem:$0x3FB8] =	sst s0;
	s0 =	simm.s32 @!p2 $0x0  }
0x16: {  	s3 =	sld [smem:$0x3FDB];
	s0 =	simm.s32 @p2 $0x1  }
0x17: {  	s4 =	simm.s32 $0x1BF5;
	[smem:$0x3FBA] =	sst s0  }
0x18: {  	s0 =	sld [smem:$0x3F9D];
	_ =	swait.ge [sflag:s4], $0x0  }
0x19: {  	s7 =	sld [smem:$0x3F9E]  }
0x1a: {  	s8 =	sadd.s32 $0xFFFFE003, lr  }
0x1b: {  	s9 =	sadd.s32 $0xFFFFFEF7, lr;
	s5 =	simm.s32 $0xFFFFFFFF;
	p2 =	slt.u32 s8, $0xFFFFF086  }
0x1c: {  	p1 =	slt.u32 s9, $0xF7A;
	s5 =	simm.s32 @!p2 $0x0  }
0x1d: {  	s5 =	simm.s32 @p1 $0x1;
	p0 =	seq.s32 s7, s2  }
0x1e: {  	s7 =	smul.u32 @!p0 $0xF7A, s2;
	p2 =	seq.s32 @!p0 s5, $0x0  }
0x1f: {  	s9 =	smul.u32 $0xF7A, s1;
	s8 =	simm.s32 @!p0 $0x1BF5;
	p2 =	por !p2, p0  }
0x20: {  	[sflag:s8] =	ssyncset.s32 @!p0 $0xFFFFF086;
	s6 =	sadd.s32 @!p0 s3, s7;
	s7 =	simm.s32 @!p0 $0x108  }
0x21: {  	s3 =	sadd.s32 s3, s9;
	s6 =	sadd.s32 @!p0 $0x88, s6;
	s7 =	simm.s32 @p2 $0x1082  }
0x22: {  	[simem:s7], [sflag:s8] =	dma.local @!p0 [hbm:s6], $0xF7A  }
0x23: {  	s9 =	sor.u32 $0xD0000000, s2;
	s6 =	simm.s32 $0x108;
	_ =	swait.ge @!p0 [sflag:s8], $0x0  }
0x24: {  	s3 =	sadd.s32 $0x88, s3;
	s6 =	simm.s32 @!p1 $0x1082;
	[sflag:s4] =	ssyncset.s32 $0xFFFFF086  }
0x25: {  	[simem:s6], [sflag:s4] =	dma.local [hbm:s3], $0xF7A  }
0x26: {  	[smem:$0x3F9E] =	sst s1;
	(tag) =	ssettag s2;
	_ =	strace s9  }
0x27: {  	s1 =	sld [smem:$0x3FAE]  }
0x28: {  	s2 =	sld [smem:$0x3FAF]  }
0x29: {  	s4 =	sld [smem:$0x3FB1]  }
0x2a: {  	p0 =	seq.s32 s5, $0x0;
	s5 =	sld [smem:$0x3FB2]  }
0x2b: {  	s6 =	sld [smem:$0x3FB3]  }
0x2c: {  	s7 =	sld [smem:$0x3FB4]  }
0x2d: {  	s3 =	simm.s32 $0x108;
	s8 =	sld [smem:$0x3FB5]  }
0x2e: {  	s3 =	simm.s32 @!p0 $0x1082;
	s9 =	sld [smem:$0x3FB6]  }
0x2f: {  	lr =	sadd.s32 s0, s3;
	s0 =	sld [smem:$0x3FAD]  }
0x30: {  	s3 =	sld [smem:$0x3FB0]  }
0x31: {  	[smem:$0x3FB9] =	sst s10  }
0x32: {  	s10 =	sld [smem:$0x3FB7];
	_ =	sdelay $0x3  }
0x33: {  	p0 =	seq.s32 s10, $0x1;
	s10 =	sld [smem:$0x3FB9];
	_ =	sdelay $0x3  }
0x34: {  	[smem:$0x3FB9] =	sst s10  }
0x35: {  	s10 =	sld [smem:$0x3FB8];
	_ =	sdelay $0x3  }
0x36: {  	p1 =	seq.s32 s10, $0x1;
	s10 =	sld [smem:$0x3FB9];
	_ =	sdelay $0x3  }
0x37: {  	[smem:$0x3FB9] =	sst s10  }
0x38: {  	s10 =	sld [smem:$0x3FBA]  }
0x39: {  	_ = 	snop;
	(pc) =	sbr.ind lr, $3  }
0x3a: {  	_ = 	snop  }
0x3b: {  	_ = 	snop  }
0x3c: {  	p2 =	seq.s32 s10, $0x1;
	s10 =	sld [smem:$0x3FB9]  }
0x3d: {  	_ =	shalt  }
0x3e: {  	_ =	shalt  }
0x3f: {  	_ =	shalt  }
0x40: {  	_ =	shalt  }
0x41: {  	_ =	shalt  }
0x42: {  	_ =	shalt  }
0x43: {  	_ =	shalt  }
0x44: {  	_ =	shalt  }
0x45: {  	_ =	shalt  }
0x46: {  	_ =	shalt  }
0x47: {  	_ =	shalt  }
0x48: {  	_ =	shalt  }
0x49: {  	_ =	shalt  }
0x4a: {  	_ =	shalt  }
0x4b: {  	_ =	shalt  }
0x4c: {  	_ =	shalt  }
0x4d: {  	_ =	shalt  }
0x4e: {  	_ =	shalt  }
0x4f: {  	_ =	shalt  }
0x50: {  	_ =	shalt  }
0x51: {  	_ =	shalt  }
0x52: {  	_ =	shalt  }
0x53: {  	_ =	shalt  }
0x54: {  	_ =	shalt  }
0x55: {  	_ =	shalt  }
0x56: {  	_ =	shalt  }
0x57: {  	_ =	shalt  }
0x58: {  	_ =	shalt  }
0x59: {  	_ =	shalt  }
0x5a: {  	_ =	shalt  }
0x5b: {  	_ =	shalt  }
0x5c: {  	_ =	shalt  }
0x5d: {  	_ =	shalt  }
0x5e: {  	_ =	shalt  }
0x5f: {  	_ =	shalt  }
0x60: {  	_ =	shalt  }
0x61: {  	_ =	shalt  }
0x62: {  	_ =	shalt  }
0x63: {  	_ =	shalt  }
0x64: {  	_ =	shalt  }
0x65: {  	_ =	shalt  }
0x66: {  	_ =	shalt  }
0x67: {  	_ =	shalt  }
0x68: {  	_ =	shalt  }
0x69: {  	_ =	shalt  }
0x6a: {  	_ =	shalt  }
0x6b: {  	_ =	shalt  }
0x6c: {  	_ =	shalt  }
0x6d: {  	_ =	shalt  }
0x6e: {  	_ =	shalt  }
0x6f: {  	_ =	shalt  }
0x70: {  	_ =	shalt  }
0x71: {  	_ =	shalt  }
0x72: {  	_ =	shalt  }
0x73: {  	_ =	shalt  }
0x74: {  	_ =	shalt  }
0x75: {  	_ =	shalt  }
0x76: {  	_ =	shalt  }
0x77: {  	_ =	shalt  }
0x78: {  	_ =	shalt  }
0x79: {  	_ =	shalt  }
0x7a: {  	_ =	shalt  }
0x7b: {  	_ =	shalt  }
0x7c: {  	_ =	shalt  }
0x7d: {  	_ =	shalt  }
0x7e: {  	_ =	shalt  }
0x7f: {  	_ =	shalt  }
0x80: {  	_ =	shalt  }
0x81: {  	_ =	shalt  }
0x82: {  	_ =	shalt  }
0x83: {  	_ =	shalt  }
0x84: {  	_ =	shalt  }
0x85: {  	_ =	shalt  }
0x86: {  	_ =	shalt  }
0x87: {  	_ =	shalt  }
.Lfunc_end0:
.L_simem_size_0:
called_computation_lowered:
.L_overlay_start_0:
0x88: {  	s2 =	sld [smem:$0x3FD9]  }
0x89: {  	s3 =	sld [smem:$0x3FFE];
	_ =	sdelay $0x1  }
0x8a: {  	s1 =	srdreg.scid  }
0x8b: {  	s0 =	sand.u32 $0x1, s1  }
0x8c: {  	s17 =	sshll.u32 s0, $0xA;
	s2 =	sadd.s32 s3, s2  }
0x8d: {  	s2 =	sadd.s32 s2, s17  }
0x8e: {  	[smem:$0x3FC5] =	sst s2  }
0x8f: {  	_ = 	snop  }
0x90: {  	s2 =	sld [smem:$0x3FC7]  }
0x91: {  	s18 =	sld [smem:$0x3FD0];
	(tm) =	ssettm $0x1  }
0x92: {  	s4 =	sld [smem:$0x3FFB];
	_ =	sdelay $0x3  }
0x93: {  	_ =	strace s4  }
0x94: {  	s4 =	sld [smem:$0x3FFC];
	_ =	sdelay $0x3  }
0x95: {  	_ =	strace s4  }
0x96: {  	s4 =	sld [smem:$0x3FFD];
	_ =	sdelay $0x3  }
0x97: {  	_ =	strace s4  }
0x98: {  	_ =	strace $0x8FFFFFFF  }
0x99: {  	s19 =	sld [smem:$0x3FDB];
	_ =	sdelay $0x1  }
0x9a: {  	s5 =	simm.s32 $_scs_section_size  }
0x9b: {  	s6 =	simm.s32 $_size__tile_overlayer_lowered;
	s7 =	simm.s32 $_tile_overlayer_lowered  }
0x9c: {  	s22 =	simm.s32 $0x1BFF;
	s21 =	sshll.u32 s7, $0x1;
	s4 =	sadd.s32 s5, s19  }
0x9d: {  	s8 =	simm.s32 $0x0;
	s20 =	sshll.u32 s6, $0x1;
	s6 =	sadd.s32 s21, s4  }
0x9e: {  	[timem:s8], [sflag:s22] =	dma.local [hbm:s6], s20  }
0x9f: {  	_ =	swait.ge [sflag:s22], s20  }
0xa0: {  	s5 =	ssub.s32 $0x0, s20;
	[sflag:s22] =	ssyncset.done $0x0  }
0xa1: {  	[sflag:s22] =	ssyncadd.s32 s5;
	_ =	sdelay $0x1  }
0xa2: {  	s23 =	simm.s32 $0x1B8B  }
0xa3: {  	_ =	swait.ge [sflag:s23], $0x1  }
0xa4: {  	[sflag:s23] =	ssyncset.done $0x0  }
0xa5: {  	s25 =	simm.s32 $0x1B8E;
	s24 =	sld [smem:$0x3FFE];
	[sflag:s23] =	ssyncadd.s32 $0xFFFFFFFF  }
0xa6: {  	s26 =	simm.s32 $execute0_lowered;
	[smem:$0x3FD2] =	sst s25  }
0xa7: {  	s6 =	sshll.u32 s26, $0x1;
	_ =	strace $0x80000046;
	[dreg:$0x1] =	wrdreg $0xFFFFFFFF  }
0xa8: {  	s28 =	simm.s32 $_size_execute0_lowered;
	s4 =	sadd.s32 s4, s6;
	[dreg:$0x0] =	wrdreg $0x0  }
0xa9: {  	s6 =	sshll.u32 s28, $0x1;
	[dreg:$0x2] =	wrdreg s4  }
0xaa: {  	[dreg:$0x3] =	wrdreg s6  }
0xab: {  	[dreg:$0x4] =	wrdreg $0xC0  }
0xac: {  	_ =	task [dreg:s8], $0x5FFFF  }
0xad: {  	[dreg:$0x1] =	wrdreg $0xFFFFFFFF  }
0xae: {  	[dreg:$0x0] =	wrdreg $0x60  }
0xaf: {  	[dreg:$0x2] =	wrdreg s24  }
0xb0: {  	[dreg:$0x3] =	wrdreg s2  }
0xb1: {  	[dreg:$0x4] =	wrdreg s18  }
0xb2: {  	[dreg:$0x5] =	wrdreg $0x9  }
0xb3: {  	_ =	task.clear_ibuf [dreg:s8], $0x6FFFF;
	_ =	strace $0x90000046  }
0xb4: {  	s29 =	simm.s32 $0x9;
	_ =	strace $0x80000048  }
0xb5: {  	_ =	swait.ge [sflag:s29], $0x1  }
0xb6: {  	[sflag:s29] =	ssyncadd.s32 $0xFFFFFFFF  }
0xb7: {  	_ =	strace $0x90000048  }
0xb8: {  	_ =	sfence  }
0xb9: {  	s30 =	sld [smem:$0x0];
	_ =	sdelay $0x2  }
0xba: {  	s31 =	sshll.u32 s1, $0xD;
	s1 =	sshrl.u32 s1, $0x2  }
0xbb: {  	s3 =	sand.u32 $0x4000, s31;
	s1 =	sadd.s32 s1, s30  }
0xbc: {  	s0 =	sor.u32 s3, s0;
	s1 =	sshll.u32 s1, $0x11  }
0xbd: {  	s0 =	sor.u32 s1, s0  }
0xbe: {  	s0 =	sadd.s32 $0x8F2B, s0  }
0xbf: {  	[sflag:s0] =	ssyncadd.remote.s32 $0x1  }
0xc0: {  	_ =	sfence.sel $0xFFFF  }
0xc1: {  	[dreg:$0x0] =	wrdreg $0xFFFFFFFF;
	(pc) =	sbr.abs _section_cstart, $3  }
0xc2: {  	[dreg:$0x1] =	wrdreg $0xFFFFFFFF  }
0xc3: {  	_ =	task.clear_ibuf [dreg:s8], $0x2FFFF;
	_ =	strace $0x9FFFFFFF  }
0xc4: {  	(tm) =	ssettm $0x7FFFFFFF  }
0xc5: {  	_ =	shalt  }
tec
execute0_lowered:
.L_overlay_start_1:
0x0: {  	(tag) =	ssettag $0x1  }
0x1: {  	s0 =	rddreg [dreg:$0x0]  }
0x2: {  	s2 =	rddreg [dreg:$0x1]  }
0x3: {  	s3 =	rddreg [dreg:$0x2];
	s1 =	simm.s32 $0x0  }
0x4: {  	s4 =	srdreg.scid;
	s6 =	stileid.u32;
	s23 =	simm.s32 $0x80  }
0x5: {  	s24 =	simm.s32 $0x400;
	s28 =	simm.s32 $0x1;
	s29 =	simm.s32 $0x1C700  }
0x6: {  	s30 =	simm.s32 $0x1CF00;
	s31 =	simm.s32 $0x3;
	[smem:$0x7FF] =	sst s1  }
0x7: {  	s0 =	sadd.s32 $0x400, s0;
	s25 =	sand.u32 $0x1, s4;
	s5 =	sshll.u32 s6, $0x9  }
0x8: {  	s6 =	sshrl.u32 s6, $0x1;
	s15 =	sadd.s32 $0x800, s3;
	s16 =	sadd.s32 $0x1000, s3  }
0x9: {  	s17 =	sadd.s32 $0x1800, s3;
	s18 =	sadd.s32 $0x2000, s3;
	s19 =	sadd.s32 $0x2800, s3  }
0xa: {  	s20 =	sadd.s32 $0x3000, s3;
	s21 =	sadd.s32 $0x3800, s3;
	_ =	strace $0x80000047  }
0xb: {  	[dreg:$0x4] =	wrdreg s0;
	s4 =	ssub.s32 $0x2, s25;
	s0 =	sshll.u32 s25, $0x8  }
0xc: {  	s5 =	sand.u32 $0x200, s5;
	s12 =	smul.u32 $0xC3800, s6;
	s7 =	sshrl.u32 s4, $0x1  }
0xd: {  	s13 =	sshll.u32 s6, $0x11;
	s0 =	sor.u32 s0, s5;
	s22 =	ssub.s32 s4, s7  }
0xe: {  	s26 =	sor.u32 s12, s0;
	s5 =	sor.u32 s13, s0;
	s0 =	sor.u32 $0x80, s0  }
0xf: {  	s4 =	sshrl.u32 s26, $0x3;
	s14 =	sshrl.u32 s5, $0x3;
	s12 =	sor.u32 s12, s0  }
0x10: {  	s0 =	sor.u32 s13, s0;
	s22 =	smax.u32 s22, $0x1;
	s26 =	simm.s32 $0x2  }
0x11: {  	s4 =	sadd.s32 s2, s4;
	s5 =	sadd.s32 s3, s14;
	s6 =	sadd.s32 s14, s15  }
0x12: {  	s7 =	sadd.s32 s14, s16;
	s8 =	sadd.s32 s14, s17;
	s9 =	sadd.s32 s14, s18  }
0x13: {  	s10 =	sadd.s32 s14, s19;
	s11 =	sadd.s32 s14, s20;
	s12 =	sshrl.u32 s12, $0x3  }
0x14: {  	s13 =	sadd.s32 s14, s21;
	s0 =	sshrl.u32 s0, $0x3;
	s12 =	sadd.s32 s2, s12  }
0x15: {  	s14 =	sadd.s32 s3, s0;
	s15 =	sadd.s32 s0, s15;
	s16 =	sadd.s32 s0, s16  }
0x16: {  	s17 =	sadd.s32 s0, s17;
	s18 =	sadd.s32 s0, s18;
	s19 =	sadd.s32 s0, s19  }
0x17: {  	s20 =	sadd.s32 s0, s20;
	s21 =	sadd.s32 s0, s21;
	s0 =	simm.s32 $0x0  }
.LBB2_1:
0x18: {  	[tilespmem:s1], [sflag:$0x1] =	stream.strided.gather [hbm4b:s4+s23], $0x18700, s24, s23, $0x38;
	[tilespmem:$0x1D700] =	vst v63  }
0x19: {  	s2 =	rddreg [dreg:$0x4];
	s3 =	simm.s32 $0x18700  }
0x1a: {  	[tilespmem:s3], [sflag:$0x2] =	stream.linear.gather [hbm4b:s2+s1], $0x4000, $0x38;
	[tilespmem:$0x1D700] =	vst v63  }
0x1b: {  	_ =	swait.ge [sflag:s26], $0x4000  }
0x1c: {  	[sflag:s26] =	ssyncset.done $0x0  }
0x1d: {  	[sflag:s26] =	ssyncadd.s32 $0xFFFFC000  }
0x1e: {  	_ =	swait.ge [sflag:s28], $0x18700  }
0x1f: {  	[sflag:s28] =	ssyncset.done $0x0  }
0x20: {  	s25 =	simm.s32 $0x18740;
	[sflag:s28] =	ssyncadd.s32 $0xFFFE7900  }
0x21: {  	v0 =	vld [tilespmem:s25+$0x30]  }
0x22: {  	v1 =	vld [tilespmem:s25+$0xFFFFFFD0]  }
0x23: {  	v2 =	vld [tilespmem:s25+$0xFFFFFFE0]  }
0x24: {  	v3 =	vld [tilespmem:s25+$0xFFFFFFF0]  }
0x25: {  	v4 =	vld [tilespmem:s25+$0x0]  }
0x26: {  	v6 =	vld [tilespmem:s25+$0x10]  }
0x27: {  	v7 =	vld [tilespmem:s25+$0x20]  }
0x28: {  	v8 =	vld [tilespmem:s25+$0xFFFFFFC0]  }
0x29: {  	v9 =	vld.idx.msk [tilespmem:v0+s1+$0x0], $0xffff  }
0x2a: {  	v10 =	vld.idx.msk [tilespmem:v1+s1+$0x0], $0xffff  }
0x2b: {  	v5 =	vld.idx.msk [tilespmem:v2+s1+$0x0], $0xffff  }
0x2c: {  	v3 =	vld.idx.msk [tilespmem:v3+s1+$0x0], $0xffff  }
0x2d: {  	v0 =	vld.idx.msk [tilespmem:v4+s1+$0x0], $0xffff  }
0x2e: {  	s2 =	simm.s32 $0x1C740;
	v1 =	vld.idx.msk [tilespmem:v6+s1+$0x0], $0xffff  }
0x2f: {  	v2 =	vld.idx.msk [tilespmem:v7+s1+$0x0], $0xffff;
	[tilespmem:s2+$0x30] =	vst v9  }
0x30: {  	s3 =	simm.s32 $0x187C0;
	s25 =	simm.s32 $0x0;
	v4 =	vld.idx.msk [tilespmem:v8+s1+$0x0], $0xffff;
	[tilespmem:s2+$0xFFFFFFD0] =	vst v10  }
.LBB2_2:
0x31: {  	v6 =	vld [tilespmem:s3+$0x30];
	s25 =	sadd.s32 $0x80, s25;
	[tilespmem:s2+$0xFFFFFFE0] =	vst v5  }
0x32: {  	v5 =	vld [tilespmem:s3+$0xFFFFFFD0];
	p0 =	slt.u32 s25, $0x780;
	[tilespmem:s2+$0xFFFFFFF0] =	vst v3  }
0x33: {  	v3 =	vld [tilespmem:s3+$0xFFFFFFE0];
	[tilespmem:s2+$0x0] =	vst v0  }
0x34: {  	v0 =	vld [tilespmem:s3+$0xFFFFFFF0];
	[tilespmem:s2+$0x10] =	vst v1  }
0x35: {  	v1 =	vld [tilespmem:s3+$0x0];
	[tilespmem:s2+$0x20] =	vst v2  }
0x36: {  	v2 =	vld [tilespmem:s3+$0x10];
	[tilespmem:s2+$0xFFFFFFC0] =	vst v4  }
0x37: {  	v4 =	vld [tilespmem:s3+$0x20]  }
0x38: {  	v7 =	vld [tilespmem:s3+$0xFFFFFFC0]  }
0x39: {  	v6 =	vld.idx.msk [tilespmem:v6+s1+$0x0], $0xffff  }
0x3a: {  	v8 =	vld.idx.msk [tilespmem:v5+s1+$0x0], $0xffff  }
0x3b: {  	v5 =	vld.idx.msk [tilespmem:v3+s1+$0x0], $0xffff  }
.Ltmp0:
0x3c: {  	v3 =	vld.idx.msk [tilespmem:v0+s1+$0x0], $0xffff;
	(pc) =	sbr.rel @p0 .LBB2_2-.Ltmp0, $4  }
0x3d: {  	v0 =	vld.idx.msk [tilespmem:v1+s1+$0x0], $0xffff  }
0x3e: {  	s2 =	sadd.s32 $0x80, s2;
	v1 =	vld.idx.msk [tilespmem:v2+s1+$0x0], $0xffff  }
0x3f: {  	v2 =	vld.idx.msk [tilespmem:v4+s1+$0x0], $0xffff;
	[tilespmem:s2+$0x30] =	vst v6  }
0x40: {  	s3 =	sadd.s32 $0x80, s3;
	v4 =	vld.idx.msk [tilespmem:v7+s1+$0x0], $0xffff;
	[tilespmem:s2+$0xFFFFFFD0] =	vst v8  }
0x41: {  	[tilespmem:s2+$0xFFFFFFE0] =	vst v5  }
0x42: {  	[tilespmem:s2+$0xFFFFFFF0] =	vst v3  }
0x43: {  	[tilespmem:s2+$0x0] =	vst v0  }
0x44: {  	[tilespmem:s2+$0x10] =	vst v1  }
0x45: {  	[tilespmem:s2+$0x20] =	vst v2  }
0x46: {  	s25 =	simm.s32 $0x18F70;
	[tilespmem:s2+$0xFFFFFFC0] =	vst v4  }
0x47: {  	[hbm4b:s5+s23] =	stream.strided.scatter [tilespmem:s29], [sflag:$0x3], $0x800, s24, s23, $0x38;
	[tilespmem:$0x1D700] =	vst v63  }
0x48: {  	v0 =	vld [tilespmem:s25+$0x0]  }
0x49: {  	v1 =	vld [tilespmem:s25+$0xFFFFFFA0]  }
0x4a: {  	v2 =	vld [tilespmem:s25+$0xFFFFFFB0]  }
0x4b: {  	v3 =	vld [tilespmem:s25+$0xFFFFFFC0]  }
0x4c: {  	v4 =	vld [tilespmem:s25+$0xFFFFFFD0]  }
0x4d: {  	v6 =	vld [tilespmem:s25+$0xFFFFFFE0]  }
0x4e: {  	v7 =	vld [tilespmem:s25+$0xFFFFFFF0]  }
0x4f: {  	v8 =	vld [tilespmem:s25+$0xFFFFFF90]  }
0x50: {  	v9 =	vld.idx.msk [tilespmem:v0+s1+$0x0], $0xffff  }
0x51: {  	v10 =	vld.idx.msk [tilespmem:v1+s1+$0x0], $0xffff  }
0x52: {  	v5 =	vld.idx.msk [tilespmem:v2+s1+$0x0], $0xffff  }
0x53: {  	v3 =	vld.idx.msk [tilespmem:v3+s1+$0x0], $0xffff  }
0x54: {  	v0 =	vld.idx.msk [tilespmem:v4+s1+$0x0], $0xffff  }
0x55: {  	s2 =	simm.s32 $0x1CF40;
	v1 =	vld.idx.msk [tilespmem:v6+s1+$0x0], $0xffff  }
0x56: {  	v2 =	vld.idx.msk [tilespmem:v7+s1+$0x0], $0xffff;
	[tilespmem:s2+$0x30] =	vst v9  }
0x57: {  	s3 =	simm.s32 $0x18FF0;
	s25 =	simm.s32 $0x0;
	v4 =	vld.idx.msk [tilespmem:v8+s1+$0x0], $0xffff;
	[tilespmem:s2+$0xFFFFFFD0] =	vst v10  }
.LBB2_4:
0x58: {  	v6 =	vld [tilespmem:s3+$0x0];
	s25 =	sadd.s32 $0x80, s25;
	[tilespmem:s2+$0xFFFFFFE0] =	vst v5  }
0x59: {  	v5 =	vld [tilespmem:s3+$0xFFFFFFA0];
	p0 =	slt.u32 s25, $0x780;
	[tilespmem:s2+$0xFFFFFFF0] =	vst v3  }
0x5a: {  	v3 =	vld [tilespmem:s3+$0xFFFFFFB0];
	[tilespmem:s2+$0x0] =	vst v0  }
0x5b: {  	v0 =	vld [tilespmem:s3+$0xFFFFFFC0];
	[tilespmem:s2+$0x10] =	vst v1  }
0x5c: {  	v1 =	vld [tilespmem:s3+$0xFFFFFFD0];
	[tilespmem:s2+$0x20] =	vst v2  }
0x5d: {  	v2 =	vld [tilespmem:s3+$0xFFFFFFE0];
	[tilespmem:s2+$0xFFFFFFC0] =	vst v4  }
0x5e: {  	v4 =	vld [tilespmem:s3+$0xFFFFFFF0]  }
0x5f: {  	v7 =	vld [tilespmem:s3+$0xFFFFFF90]  }
0x60: {  	v6 =	vld.idx.msk [tilespmem:v6+s1+$0x0], $0xffff  }
0x61: {  	v8 =	vld.idx.msk [tilespmem:v5+s1+$0x0], $0xffff  }
0x62: {  	v5 =	vld.idx.msk [tilespmem:v3+s1+$0x0], $0xffff  }
.Ltmp1:
0x63: {  	v3 =	vld.idx.msk [tilespmem:v0+s1+$0x0], $0xffff;
	(pc) =	sbr.rel @p0 .LBB2_4-.Ltmp1, $4  }
0x64: {  	v0 =	vld.idx.msk [tilespmem:v1+s1+$0x0], $0xffff  }
0x65: {  	s2 =	sadd.s32 $0x80, s2;
	v1 =	vld.idx.msk [tilespmem:v2+s1+$0x0], $0xffff  }
0x66: {  	v2 =	vld.idx.msk [tilespmem:v4+s1+$0x0], $0xffff;
	[tilespmem:s2+$0x30] =	vst v6  }
0x67: {  	s3 =	sadd.s32 $0x80, s3;
	v4 =	vld.idx.msk [tilespmem:v7+s1+$0x0], $0xffff;
	[tilespmem:s2+$0xFFFFFFD0] =	vst v8  }
0x68: {  	[tilespmem:s2+$0xFFFFFFE0] =	vst v5  }
0x69: {  	[tilespmem:s2+$0xFFFFFFF0] =	vst v3  }
0x6a: {  	[tilespmem:s2+$0x0] =	vst v0  }
0x6b: {  	[tilespmem:s2+$0x10] =	vst v1  }
0x6c: {  	[tilespmem:s2+$0x20] =	vst v2  }
0x6d: {  	[tilespmem:s2+$0xFFFFFFC0] =	vst v4  }
0x6e: {  	[hbm4b:s6+s23] =	stream.strided.scatter [tilespmem:s30], [sflag:$0x3], $0x800, s24, s23, $0x38;
	[tilespmem:$0x1D700] =	vst v63  }
0x6f: {  	_ =	swait.ge [sflag:s31], $0x800  }
0x70: {  	[sflag:s31] =	ssyncset.done $0x0  }
0x71: {  	s25 =	simm.s32 $0x19770;
	[sflag:s31] =	ssyncadd.s32 $0xFFFFF800  }
0x72: {  	v0 =	vld [tilespmem:s25+$0x0]  }
0x73: {  	v1 =	vld [tilespmem:s25+$0xFFFFFFA0]  }
0x74: {  	v2 =	vld [tilespmem:s25+$0xFFFFFFB0]  }
0x75: {  	v3 =	vld [tilespmem:s25+$0xFFFFFFC0]  }
0x76: {  	v4 =	vld [tilespmem:s25+$0xFFFFFFD0]  }
0x77: {  	v6 =	vld [tilespmem:s25+$0xFFFFFFE0]  }
0x78: {  	v7 =	vld [tilespmem:s25+$0xFFFFFFF0]  }
0x79: {  	v8 =	vld [tilespmem:s25+$0xFFFFFF90]  }
0x7a: {  	v9 =	vld.idx.msk [tilespmem:v0+s1+$0x0], $0xffff  }
0x7b: {  	v10 =	vld.idx.msk [tilespmem:v1+s1+$0x0], $0xffff  }
0x7c: {  	v5 =	vld.idx.msk [tilespmem:v2+s1+$0x0], $0xffff  }
0x7d: {  	v3 =	vld.idx.msk [tilespmem:v3+s1+$0x0], $0xffff  }
0x7e: {  	v0 =	vld.idx.msk [tilespmem:v4+s1+$0x0], $0xffff  }
0x7f: {  	s2 =	simm.s32 $0x1C740;
	v1 =	vld.idx.msk [tilespmem:v6+s1+$0x0], $0xffff  }
0x80: {  	v2 =	vld.idx.msk [tilespmem:v7+s1+$0x0], $0xffff;
	[tilespmem:s2+$0x30] =	vst v9  }
0x81: {  	s3 =	simm.s32 $0x197F0;
	s25 =	simm.s32 $0x0;
	v4 =	vld.idx.msk [tilespmem:v8+s1+$0x0], $0xffff;
	[tilespmem:s2+$0xFFFFFFD0] =	vst v10  }
.LBB2_6:
0x82: {  	v6 =	vld [tilespmem:s3+$0x0];
	s25 =	sadd.s32 $0x80, s25;
	[tilespmem:s2+$0xFFFFFFE0] =	vst v5  }
0x83: {  	v5 =	vld [tilespmem:s3+$0xFFFFFFA0];
	p0 =	slt.u32 s25, $0x780;
	[tilespmem:s2+$0xFFFFFFF0] =	vst v3  }
0x84: {  	v3 =	vld [tilespmem:s3+$0xFFFFFFB0];
	[tilespmem:s2+$0x0] =	vst v0  }
0x85: {  	v0 =	vld [tilespmem:s3+$0xFFFFFFC0];
	[tilespmem:s2+$0x10] =	vst v1  }
0x86: {  	v1 =	vld [tilespmem:s3+$0xFFFFFFD0];
	[tilespmem:s2+$0x20] =	vst v2  }
0x87: {  	v2 =	vld [tilespmem:s3+$0xFFFFFFE0];
	[tilespmem:s2+$0xFFFFFFC0] =	vst v4  }
0x88: {  	v4 =	vld [tilespmem:s3+$0xFFFFFFF0]  }
0x89: {  	v7 =	vld [tilespmem:s3+$0xFFFFFF90]  }
0x8a: {  	v6 =	vld.idx.msk [tilespmem:v6+s1+$0x0], $0xffff  }
0x8b: {  	v8 =	vld.idx.msk [tilespmem:v5+s1+$0x0], $0xffff  }
0x8c: {  	v5 =	vld.idx.msk [tilespmem:v3+s1+$0x0], $0xffff  }
.Ltmp2:
0x8d: {  	v3 =	vld.idx.msk [tilespmem:v0+s1+$0x0], $0xffff;
	(pc) =	sbr.rel @p0 .LBB2_6-.Ltmp2, $4  }
0x8e: {  	v0 =	vld.idx.msk [tilespmem:v1+s1+$0x0], $0xffff  }
0x8f: {  	s2 =	sadd.s32 $0x80, s2;
	v1 =	vld.idx.msk [tilespmem:v2+s1+$0x0], $0xffff  }
0x90: {  	v2 =	vld.idx.msk [tilespmem:v4+s1+$0x0], $0xffff;
	[tilespmem:s2+$0x30] =	vst v6  }
0x91: {  	s3 =	sadd.s32 $0x80, s3;
	v4 =	vld.idx.msk [tilespmem:v7+s1+$0x0], $0xffff;
	[tilespmem:s2+$0xFFFFFFD0] =	vst v8  }
0x92: {  	[tilespmem:s2+$0xFFFFFFE0] =	vst v5  }
0x93: {  	[tilespmem:s2+$0xFFFFFFF0] =	vst v3  }
0x94: {  	[tilespmem:s2+$0x0] =	vst v0  }
0x95: {  	[tilespmem:s2+$0x10] =	vst v1  }
0x96: {  	[tilespmem:s2+$0x20] =	vst v2  }
0x97: {  	[tilespmem:s2+$0xFFFFFFC0] =	vst v4  }
0x98: {  	[hbm4b:s7+s23] =	stream.strided.scatter [tilespmem:s29], [sflag:$0x3], $0x800, s24, s23, $0x38;
	[tilespmem:$0x1D700] =	vst v63  }
0x99: {  	_ =	swait.ge [sflag:s31], $0x800  }
0x9a: {  	[sflag:s31] =	ssyncset.done $0x0  }
0x9b: {  	s25 =	simm.s32 $0x19F70;
	[sflag:s31] =	ssyncadd.s32 $0xFFFFF800  }
0x9c: {  	v0 =	vld [tilespmem:s25+$0x0]  }
0x9d: {  	v1 =	vld [tilespmem:s25+$0xFFFFFFA0]  }
0x9e: {  	v2 =	vld [tilespmem:s25+$0xFFFFFFB0]  }
0x9f: {  	v3 =	vld [tilespmem:s25+$0xFFFFFFC0]  }
0xa0: {  	v4 =	vld [tilespmem:s25+$0xFFFFFFD0]  }
0xa1: {  	v6 =	vld [tilespmem:s25+$0xFFFFFFE0]  }
0xa2: {  	v7 =	vld [tilespmem:s25+$0xFFFFFFF0]  }
0xa3: {  	v8 =	vld [tilespmem:s25+$0xFFFFFF90]  }
0xa4: {  	v9 =	vld.idx.msk [tilespmem:v0+s1+$0x0], $0xffff  }
0xa5: {  	v10 =	vld.idx.msk [tilespmem:v1+s1+$0x0], $0xffff  }
0xa6: {  	v5 =	vld.idx.msk [tilespmem:v2+s1+$0x0], $0xffff  }
0xa7: {  	v3 =	vld.idx.msk [tilespmem:v3+s1+$0x0], $0xffff  }
0xa8: {  	v0 =	vld.idx.msk [tilespmem:v4+s1+$0x0], $0xffff  }
0xa9: {  	s2 =	simm.s32 $0x1CF40;
	v1 =	vld.idx.msk [tilespmem:v6+s1+$0x0], $0xffff  }
0xaa: {  	v2 =	vld.idx.msk [tilespmem:v7+s1+$0x0], $0xffff;
	[tilespmem:s2+$0x30] =	vst v9  }
0xab: {  	s3 =	simm.s32 $0x19FF0;
	s25 =	simm.s32 $0x0;
	v4 =	vld.idx.msk [tilespmem:v8+s1+$0x0], $0xffff;
	[tilespmem:s2+$0xFFFFFFD0] =	vst v10  }
.LBB2_8:
0xac: {  	v6 =	vld [tilespmem:s3+$0x0];
	s25 =	sadd.s32 $0x80, s25;
	[tilespmem:s2+$0xFFFFFFE0] =	vst v5  }
0xad: {  	v5 =	vld [tilespmem:s3+$0xFFFFFFA0];
	p0 =	slt.u32 s25, $0x780;
	[tilespmem:s2+$0xFFFFFFF0] =	vst v3  }
0xae: {  	v3 =	vld [tilespmem:s3+$0xFFFFFFB0];
	[tilespmem:s2+$0x0] =	vst v0  }
0xaf: {  	v0 =	vld [tilespmem:s3+$0xFFFFFFC0];
	[tilespmem:s2+$0x10] =	vst v1  }
0xb0: {  	v1 =	vld [tilespmem:s3+$0xFFFFFFD0];
	[tilespmem:s2+$0x20] =	vst v2  }
0xb1: {  	v2 =	vld [tilespmem:s3+$0xFFFFFFE0];
	[tilespmem:s2+$0xFFFFFFC0] =	vst v4  }
0xb2: {  	v4 =	vld [tilespmem:s3+$0xFFFFFFF0]  }
0xb3: {  	v7 =	vld [tilespmem:s3+$0xFFFFFF90]  }
0xb4: {  	v6 =	vld.idx.msk [tilespmem:v6+s1+$0x0], $0xffff  }
0xb5: {  	v8 =	vld.idx.msk [tilespmem:v5+s1+$0x0], $0xffff  }
0xb6: {  	v5 =	vld.idx.msk [tilespmem:v3+s1+$0x0], $0xffff  }
.Ltmp3:
0xb7: {  	v3 =	vld.idx.msk [tilespmem:v0+s1+$0x0], $0xffff;
	(pc) =	sbr.rel @p0 .LBB2_8-.Ltmp3, $4  }
0xb8: {  	v0 =	vld.idx.msk [tilespmem:v1+s1+$0x0], $0xffff  }
0xb9: {  	s2 =	sadd.s32 $0x80, s2;
	v1 =	vld.idx.msk [tilespmem:v2+s1+$0x0], $0xffff  }
0xba: {  	v2 =	vld.idx.msk [tilespmem:v4+s1+$0x0], $0xffff;
	[tilespmem:s2+$0x30] =	vst v6  }
0xbb: {  	s3 =	sadd.s32 $0x80, s3;
	v4 =	vld.idx.msk [tilespmem:v7+s1+$0x0], $0xffff;
	[tilespmem:s2+$0xFFFFFFD0] =	vst v8  }
0xbc: {  	[tilespmem:s2+$0xFFFFFFE0] =	vst v5  }
0xbd: {  	[tilespmem:s2+$0xFFFFFFF0] =	vst v3  }
0xbe: {  	[tilespmem:s2+$0x0] =	vst v0  }
0xbf: {  	[tilespmem:s2+$0x10] =	vst v1  }
0xc0: {  	[tilespmem:s2+$0x20] =	vst v2  }
0xc1: {  	[tilespmem:s2+$0xFFFFFFC0] =	vst v4  }
0xc2: {  	[hbm4b:s8+s23] =	stream.strided.scatter [tilespmem:s30], [sflag:$0x3], $0x800, s24, s23, $0x38;
	[tilespmem:$0x1D700] =	vst v63  }
0xc3: {  	_ =	swait.ge [sflag:s31], $0x800  }
0xc4: {  	[sflag:s31] =	ssyncset.done $0x0  }
0xc5: {  	s25 =	simm.s32 $0x1A770;
	[sflag:s31] =	ssyncadd.s32 $0xFFFFF800  }
0xc6: {  	v0 =	vld [tilespmem:s25+$0x0]  }
0xc7: {  	v1 =	vld [tilespmem:s25+$0xFFFFFFA0]  }
0xc8: {  	v2 =	vld [tilespmem:s25+$0xFFFFFFB0]  }
0xc9: {  	v3 =	vld [tilespmem:s25+$0xFFFFFFC0]  }
0xca: {  	v4 =	vld [tilespmem:s25+$0xFFFFFFD0]  }
0xcb: {  	v6 =	vld [tilespmem:s25+$0xFFFFFFE0]  }
0xcc: {  	v7 =	vld [tilespmem:s25+$0xFFFFFFF0]  }
0xcd: {  	v8 =	vld [tilespmem:s25+$0xFFFFFF90]  }
0xce: {  	v9 =	vld.idx.msk [tilespmem:v0+s1+$0x0], $0xffff  }
0xcf: {  	v10 =	vld.idx.msk [tilespmem:v1+s1+$0x0], $0xffff  }
0xd0: {  	v5 =	vld.idx.msk [tilespmem:v2+s1+$0x0], $0xffff  }
0xd1: {  	v3 =	vld.idx.msk [tilespmem:v3+s1+$0x0], $0xffff  }
0xd2: {  	v0 =	vld.idx.msk [tilespmem:v4+s1+$0x0], $0xffff  }
0xd3: {  	s2 =	simm.s32 $0x1C740;
	v1 =	vld.idx.msk [tilespmem:v6+s1+$0x0], $0xffff  }
0xd4: {  	v2 =	vld.idx.msk [tilespmem:v7+s1+$0x0], $0xffff;
	[tilespmem:s2+$0x30] =	vst v9  }
0xd5: {  	s3 =	simm.s32 $0x1A7F0;
	s25 =	simm.s32 $0x0;
	v4 =	vld.idx.msk [tilespmem:v8+s1+$0x0], $0xffff;
	[tilespmem:s2+$0xFFFFFFD0] =	vst v10  }
.LBB2_10:
0xd6: {  	v6 =	vld [tilespmem:s3+$0x0];
	s25 =	sadd.s32 $0x80, s25;
	[tilespmem:s2+$0xFFFFFFE0] =	vst v5  }
0xd7: {  	v5 =	vld [tilespmem:s3+$0xFFFFFFA0];
	p0 =	slt.u32 s25, $0x780;
	[tilespmem:s2+$0xFFFFFFF0] =	vst v3  }
0xd8: {  	v3 =	vld [tilespmem:s3+$0xFFFFFFB0];
	[tilespmem:s2+$0x0] =	vst v0  }
0xd9: {  	v0 =	vld [tilespmem:s3+$0xFFFFFFC0];
	[tilespmem:s2+$0x10] =	vst v1  }
0xda: {  	v1 =	vld [tilespmem:s3+$0xFFFFFFD0];
	[tilespmem:s2+$0x20] =	vst v2  }
0xdb: {  	v2 =	vld [tilespmem:s3+$0xFFFFFFE0];
	[tilespmem:s2+$0xFFFFFFC0] =	vst v4  }
0xdc: {  	v4 =	vld [tilespmem:s3+$0xFFFFFFF0]  }
0xdd: {  	v7 =	vld [tilespmem:s3+$0xFFFFFF90]  }
0xde: {  	v6 =	vld.idx.msk [tilespmem:v6+s1+$0x0], $0xffff  }
0xdf: {  	v8 =	vld.idx.msk [tilespmem:v5+s1+$0x0], $0xffff  }
0xe0: {  	v5 =	vld.idx.msk [tilespmem:v3+s1+$0x0], $0xffff  }
.Ltmp4:
0xe1: {  	v3 =	vld.idx.msk [tilespmem:v0+s1+$0x0], $0xffff;
	(pc) =	sbr.rel @p0 .LBB2_10-.Ltmp4, $4  }
0xe2: {  	v0 =	vld.idx.msk [tilespmem:v1+s1+$0x0], $0xffff  }
0xe3: {  	s2 =	sadd.s32 $0x80, s2;
	v1 =	vld.idx.msk [tilespmem:v2+s1+$0x0], $0xffff  }
0xe4: {  	v2 =	vld.idx.msk [tilespmem:v4+s1+$0x0], $0xffff;
	[tilespmem:s2+$0x30] =	vst v6  }
0xe5: {  	s3 =	sadd.s32 $0x80, s3;
	v4 =	vld.idx.msk [tilespmem:v7+s1+$0x0], $0xffff;
	[tilespmem:s2+$0xFFFFFFD0] =	vst v8  }
0xe6: {  	[tilespmem:s2+$0xFFFFFFE0] =	vst v5  }
0xe7: {  	[tilespmem:s2+$0xFFFFFFF0] =	vst v3  }
0xe8: {  	[tilespmem:s2+$0x0] =	vst v0  }
0xe9: {  	[tilespmem:s2+$0x10] =	vst v1  }
0xea: {  	[tilespmem:s2+$0x20] =	vst v2  }
0xeb: {  	[tilespmem:s2+$0xFFFFFFC0] =	vst v4  }
0xec: {  	[hbm4b:s9+s23] =	stream.strided.scatter [tilespmem:s29], [sflag:$0x3], $0x800, s24, s23, $0x38;
	[tilespmem:$0x1D700] =	vst v63  }
0xed: {  	_ =	swait.ge [sflag:s31], $0x800  }
0xee: {  	[sflag:s31] =	ssyncset.done $0x0  }
0xef: {  	s25 =	simm.s32 $0x1AF70;
	[sflag:s31] =	ssyncadd.s32 $0xFFFFF800  }
0xf0: {  	v0 =	vld [tilespmem:s25+$0x0]  }
0xf1: {  	v1 =	vld [tilespmem:s25+$0xFFFFFFA0]  }
0xf2: {  	v2 =	vld [tilespmem:s25+$0xFFFFFFB0]  }
0xf3: {  	v3 =	vld [tilespmem:s25+$0xFFFFFFC0]  }
0xf4: {  	v4 =	vld [tilespmem:s25+$0xFFFFFFD0]  }
0xf5: {  	v6 =	vld [tilespmem:s25+$0xFFFFFFE0]  }
0xf6: {  	v7 =	vld [tilespmem:s25+$0xFFFFFFF0]  }
0xf7: {  	v8 =	vld [tilespmem:s25+$0xFFFFFF90]  }
0xf8: {  	v9 =	vld.idx.msk [tilespmem:v0+s1+$0x0], $0xffff  }
0xf9: {  	v10 =	vld.idx.msk [tilespmem:v1+s1+$0x0], $0xffff  }
0xfa: {  	v5 =	vld.idx.msk [tilespmem:v2+s1+$0x0], $0xffff  }
0xfb: {  	v3 =	vld.idx.msk [tilespmem:v3+s1+$0x0], $0xffff  }
0xfc: {  	v0 =	vld.idx.msk [tilespmem:v4+s1+$0x0], $0xffff  }
0xfd: {  	s2 =	simm.s32 $0x1CF40;
	v1 =	vld.idx.msk [tilespmem:v6+s1+$0x0], $0xffff  }
0xfe: {  	v2 =	vld.idx.msk [tilespmem:v7+s1+$0x0], $0xffff;
	[tilespmem:s2+$0x30] =	vst v9  }
0xff: {  	s3 =	simm.s32 $0x1AFF0;
	s25 =	simm.s32 $0x0;
	v4 =	vld.idx.msk [tilespmem:v8+s1+$0x0], $0xffff;
	[tilespmem:s2+$0xFFFFFFD0] =	vst v10  }
.LBB2_12:
0x100: {  	v6 =	vld [tilespmem:s3+$0x0];
	s25 =	sadd.s32 $0x80, s25;
	[tilespmem:s2+$0xFFFFFFE0] =	vst v5  }
0x101: {  	v5 =	vld [tilespmem:s3+$0xFFFFFFA0];
	p0 =	slt.u32 s25, $0x780;
	[tilespmem:s2+$0xFFFFFFF0] =	vst v3  }
0x102: {  	v3 =	vld [tilespmem:s3+$0xFFFFFFB0];
	[tilespmem:s2+$0x0] =	vst v0  }
0x103: {  	v0 =	vld [tilespmem:s3+$0xFFFFFFC0];
	[tilespmem:s2+$0x10] =	vst v1  }
0x104: {  	v1 =	vld [tilespmem:s3+$0xFFFFFFD0];
	[tilespmem:s2+$0x20] =	vst v2  }
0x105: {  	v2 =	vld [tilespmem:s3+$0xFFFFFFE0];
	[tilespmem:s2+$0xFFFFFFC0] =	vst v4  }
0x106: {  	v4 =	vld [tilespmem:s3+$0xFFFFFFF0]  }
0x107: {  	v7 =	vld [tilespmem:s3+$0xFFFFFF90]  }
0x108: {  	v6 =	vld.idx.msk [tilespmem:v6+s1+$0x0], $0xffff  }
0x109: {  	v8 =	vld.idx.msk [tilespmem:v5+s1+$0x0], $0xffff  }
0x10a: {  	v5 =	vld.idx.msk [tilespmem:v3+s1+$0x0], $0xffff  }
.Ltmp5:
0x10b: {  	v3 =	vld.idx.msk [tilespmem:v0+s1+$0x0], $0xffff;
	(pc) =	sbr.rel @p0 .LBB2_12-.Ltmp5, $4  }
0x10c: {  	v0 =	vld.idx.msk [tilespmem:v1+s1+$0x0], $0xffff  }
0x10d: {  	s2 =	sadd.s32 $0x80, s2;
	v1 =	vld.idx.msk [tilespmem:v2+s1+$0x0], $0xffff  }
0x10e: {  	v2 =	vld.idx.msk [tilespmem:v4+s1+$0x0], $0xffff;
	[tilespmem:s2+$0x30] =	vst v6  }
0x10f: {  	s3 =	sadd.s32 $0x80, s3;
	v4 =	vld.idx.msk [tilespmem:v7+s1+$0x0], $0xffff;
	[tilespmem:s2+$0xFFFFFFD0] =	vst v8  }
0x110: {  	[tilespmem:s2+$0xFFFFFFE0] =	vst v5  }
0x111: {  	[tilespmem:s2+$0xFFFFFFF0] =	vst v3  }
0x112: {  	[tilespmem:s2+$0x0] =	vst v0  }
0x113: {  	[tilespmem:s2+$0x10] =	vst v1  }
0x114: {  	[tilespmem:s2+$0x20] =	vst v2  }
0x115: {  	[tilespmem:s2+$0xFFFFFFC0] =	vst v4  }
0x116: {  	[hbm4b:s10+s23] =	stream.strided.scatter [tilespmem:s30], [sflag:$0x3], $0x800, s24, s23, $0x38;
	[tilespmem:$0x1D700] =	vst v63  }
0x117: {  	_ =	swait.ge [sflag:s31], $0x800  }
0x118: {  	[sflag:s31] =	ssyncset.done $0x0  }
0x119: {  	s25 =	simm.s32 $0x1B770;
	[sflag:s31] =	ssyncadd.s32 $0xFFFFF800  }
0x11a: {  	v0 =	vld [tilespmem:s25+$0x0]  }
0x11b: {  	v1 =	vld [tilespmem:s25+$0xFFFFFFA0]  }
0x11c: {  	v2 =	vld [tilespmem:s25+$0xFFFFFFB0]  }
0x11d: {  	v3 =	vld [tilespmem:s25+$0xFFFFFFC0]  }
0x11e: {  	v4 =	vld [tilespmem:s25+$0xFFFFFFD0]  }
0x11f: {  	v6 =	vld [tilespmem:s25+$0xFFFFFFE0]  }
0x120: {  	v7 =	vld [tilespmem:s25+$0xFFFFFFF0]  }
0x121: {  	v8 =	vld [tilespmem:s25+$0xFFFFFF90]  }
0x122: {  	v9 =	vld.idx.msk [tilespmem:v0+s1+$0x0], $0xffff  }
0x123: {  	v10 =	vld.idx.msk [tilespmem:v1+s1+$0x0], $0xffff  }
0x124: {  	v5 =	vld.idx.msk [tilespmem:v2+s1+$0x0], $0xffff  }
0x125: {  	v3 =	vld.idx.msk [tilespmem:v3+s1+$0x0], $0xffff  }
0x126: {  	v0 =	vld.idx.msk [tilespmem:v4+s1+$0x0], $0xffff  }
0x127: {  	s2 =	simm.s32 $0x1C740;
	v1 =	vld.idx.msk [tilespmem:v6+s1+$0x0], $0xffff  }
0x128: {  	v2 =	vld.idx.msk [tilespmem:v7+s1+$0x0], $0xffff;
	[tilespmem:s2+$0x30] =	vst v9  }
0x129: {  	s3 =	simm.s32 $0x1B7F0;
	s25 =	simm.s32 $0x0;
	v4 =	vld.idx.msk [tilespmem:v8+s1+$0x0], $0xffff;
	[tilespmem:s2+$0xFFFFFFD0] =	vst v10  }
.LBB2_14:
0x12a: {  	v6 =	vld [tilespmem:s3+$0x0];
	s25 =	sadd.s32 $0x80, s25;
	[tilespmem:s2+$0xFFFFFFE0] =	vst v5  }
0x12b: {  	v5 =	vld [tilespmem:s3+$0xFFFFFFA0];
	p0 =	slt.u32 s25, $0x780;
	[tilespmem:s2+$0xFFFFFFF0] =	vst v3  }
0x12c: {  	v3 =	vld [tilespmem:s3+$0xFFFFFFB0];
	[tilespmem:s2+$0x0] =	vst v0  }
0x12d: {  	v0 =	vld [tilespmem:s3+$0xFFFFFFC0];
	[tilespmem:s2+$0x10] =	vst v1  }
0x12e: {  	v1 =	vld [tilespmem:s3+$0xFFFFFFD0];
	[tilespmem:s2+$0x20] =	vst v2  }
0x12f: {  	v2 =	vld [tilespmem:s3+$0xFFFFFFE0];
	[tilespmem:s2+$0xFFFFFFC0] =	vst v4  }
0x130: {  	v4 =	vld [tilespmem:s3+$0xFFFFFFF0]  }
0x131: {  	v7 =	vld [tilespmem:s3+$0xFFFFFF90]  }
0x132: {  	v6 =	vld.idx.msk [tilespmem:v6+s1+$0x0], $0xffff  }
0x133: {  	v8 =	vld.idx.msk [tilespmem:v5+s1+$0x0], $0xffff  }
0x134: {  	v5 =	vld.idx.msk [tilespmem:v3+s1+$0x0], $0xffff  }
.Ltmp6:
0x135: {  	v3 =	vld.idx.msk [tilespmem:v0+s1+$0x0], $0xffff;
	(pc) =	sbr.rel @p0 .LBB2_14-.Ltmp6, $4  }
0x136: {  	v0 =	vld.idx.msk [tilespmem:v1+s1+$0x0], $0xffff  }
0x137: {  	s2 =	sadd.s32 $0x80, s2;
	v1 =	vld.idx.msk [tilespmem:v2+s1+$0x0], $0xffff  }
0x138: {  	v2 =	vld.idx.msk [tilespmem:v4+s1+$0x0], $0xffff;
	[tilespmem:s2+$0x30] =	vst v6  }
0x139: {  	s3 =	sadd.s32 $0x80, s3;
	v4 =	vld.idx.msk [tilespmem:v7+s1+$0x0], $0xffff;
	[tilespmem:s2+$0xFFFFFFD0] =	vst v8  }
0x13a: {  	[tilespmem:s2+$0xFFFFFFE0] =	vst v5  }
0x13b: {  	[tilespmem:s2+$0xFFFFFFF0] =	vst v3  }
0x13c: {  	[tilespmem:s2+$0x0] =	vst v0  }
0x13d: {  	[tilespmem:s2+$0x10] =	vst v1  }
0x13e: {  	[tilespmem:s2+$0x20] =	vst v2  }
0x13f: {  	[tilespmem:s2+$0xFFFFFFC0] =	vst v4  }
0x140: {  	[hbm4b:s11+s23] =	stream.strided.scatter [tilespmem:s29], [sflag:$0x3], $0x800, s24, s23, $0x38;
	[tilespmem:$0x1D700] =	vst v63  }
0x141: {  	_ =	swait.ge [sflag:s31], $0x800  }
0x142: {  	[sflag:s31] =	ssyncset.done $0x0  }
0x143: {  	s25 =	simm.s32 $0x1BF70;
	[sflag:s31] =	ssyncadd.s32 $0xFFFFF800  }
0x144: {  	v0 =	vld [tilespmem:s25+$0x0]  }
0x145: {  	v1 =	vld [tilespmem:s25+$0xFFFFFFA0]  }
0x146: {  	v2 =	vld [tilespmem:s25+$0xFFFFFFB0]  }
0x147: {  	v3 =	vld [tilespmem:s25+$0xFFFFFFC0]  }
0x148: {  	v4 =	vld [tilespmem:s25+$0xFFFFFFD0]  }
0x149: {  	v6 =	vld [tilespmem:s25+$0xFFFFFFE0]  }
0x14a: {  	v7 =	vld [tilespmem:s25+$0xFFFFFFF0]  }
0x14b: {  	v8 =	vld [tilespmem:s25+$0xFFFFFF90]  }
0x14c: {  	v9 =	vld.idx.msk [tilespmem:v0+s1+$0x0], $0xffff  }
0x14d: {  	v10 =	vld.idx.msk [tilespmem:v1+s1+$0x0], $0xffff  }
0x14e: {  	v5 =	vld.idx.msk [tilespmem:v2+s1+$0x0], $0xffff  }
0x14f: {  	v3 =	vld.idx.msk [tilespmem:v3+s1+$0x0], $0xffff  }
0x150: {  	v0 =	vld.idx.msk [tilespmem:v4+s1+$0x0], $0xffff  }
0x151: {  	s2 =	simm.s32 $0x1CF40;
	v1 =	vld.idx.msk [tilespmem:v6+s1+$0x0], $0xffff  }
0x152: {  	v2 =	vld.idx.msk [tilespmem:v7+s1+$0x0], $0xffff;
	[tilespmem:s2+$0x30] =	vst v9  }
0x153: {  	s3 =	simm.s32 $0x1BFF0;
	s25 =	simm.s32 $0x0;
	v4 =	vld.idx.msk [tilespmem:v8+s1+$0x0], $0xffff;
	[tilespmem:s2+$0xFFFFFFD0] =	vst v10  }
.LBB2_16:
0x154: {  	v6 =	vld [tilespmem:s3+$0x0];
	s25 =	sadd.s32 $0x80, s25;
	[tilespmem:s2+$0xFFFFFFE0] =	vst v5  }
0x155: {  	v5 =	vld [tilespmem:s3+$0xFFFFFFA0];
	p0 =	slt.u32 s25, $0x780;
	[tilespmem:s2+$0xFFFFFFF0] =	vst v3  }
0x156: {  	v3 =	vld [tilespmem:s3+$0xFFFFFFB0];
	[tilespmem:s2+$0x0] =	vst v0  }
0x157: {  	v0 =	vld [tilespmem:s3+$0xFFFFFFC0];
	[tilespmem:s2+$0x10] =	vst v1  }
0x158: {  	v1 =	vld [tilespmem:s3+$0xFFFFFFD0];
	[tilespmem:s2+$0x20] =	vst v2  }
0x159: {  	v2 =	vld [tilespmem:s3+$0xFFFFFFE0];
	[tilespmem:s2+$0xFFFFFFC0] =	vst v4  }
0x15a: {  	v4 =	vld [tilespmem:s3+$0xFFFFFFF0]  }
0x15b: {  	v7 =	vld [tilespmem:s3+$0xFFFFFF90]  }
0x15c: {  	v6 =	vld.idx.msk [tilespmem:v6+s1+$0x0], $0xffff  }
0x15d: {  	v8 =	vld.idx.msk [tilespmem:v5+s1+$0x0], $0xffff  }
0x15e: {  	v5 =	vld.idx.msk [tilespmem:v3+s1+$0x0], $0xffff  }
.Ltmp7:
0x15f: {  	v3 =	vld.idx.msk [tilespmem:v0+s1+$0x0], $0xffff;
	(pc) =	sbr.rel @p0 .LBB2_16-.Ltmp7, $4  }
0x160: {  	v0 =	vld.idx.msk [tilespmem:v1+s1+$0x0], $0xffff  }
0x161: {  	s2 =	sadd.s32 $0x80, s2;
	v1 =	vld.idx.msk [tilespmem:v2+s1+$0x0], $0xffff  }
0x162: {  	v2 =	vld.idx.msk [tilespmem:v4+s1+$0x0], $0xffff;
	[tilespmem:s2+$0x30] =	vst v6  }
0x163: {  	s3 =	sadd.s32 $0x80, s3;
	v4 =	vld.idx.msk [tilespmem:v7+s1+$0x0], $0xffff;
	[tilespmem:s2+$0xFFFFFFD0] =	vst v8  }
0x164: {  	[tilespmem:s2+$0xFFFFFFE0] =	vst v5  }
0x165: {  	[tilespmem:s2+$0xFFFFFFF0] =	vst v3  }
0x166: {  	[tilespmem:s2+$0x0] =	vst v0  }
0x167: {  	[tilespmem:s2+$0x10] =	vst v1  }
0x168: {  	[tilespmem:s2+$0x20] =	vst v2  }
0x169: {  	[tilespmem:s2+$0xFFFFFFC0] =	vst v4  }
0x16a: {  	[tilespmem:s1], [sflag:$0x1] =	stream.strided.gather [hbm4b:s12+s23], $0x18700, s24, s23, $0x38;
	[tilespmem:$0x1D700] =	vst v63  }
0x16b: {  	_ = 	snop  }
0x16c: {  	[hbm4b:s13+s23] =	stream.strided.scatter [tilespmem:s30], [sflag:$0x3], $0x800, s24, s23, $0x38;
	[tilespmem:$0x1D700] =	vst v63  }
0x16d: {  	_ =	swait.ge [sflag:s28], $0x18700  }
0x16e: {  	[sflag:s28] =	ssyncset.done $0x0  }
0x16f: {  	[sflag:s28] =	ssyncadd.s32 $0xFFFE7900  }
0x170: {  	_ =	swait.ge [sflag:s31], $0x800  }
0x171: {  	[sflag:s31] =	ssyncset.done $0x0  }
0x172: {  	s25 =	simm.s32 $0x18740;
	[sflag:s31] =	ssyncadd.s32 $0xFFFFF800  }
0x173: {  	v0 =	vld [tilespmem:s25+$0x30]  }
0x174: {  	v1 =	vld [tilespmem:s25+$0xFFFFFFD0]  }
0x175: {  	v2 =	vld [tilespmem:s25+$0xFFFFFFE0]  }
0x176: {  	v3 =	vld [tilespmem:s25+$0xFFFFFFF0]  }
0x177: {  	v4 =	vld [tilespmem:s25+$0x0]  }
0x178: {  	v6 =	vld [tilespmem:s25+$0x10]  }
0x179: {  	v7 =	vld [tilespmem:s25+$0x20]  }
0x17a: {  	v8 =	vld [tilespmem:s25+$0xFFFFFFC0]  }
0x17b: {  	v9 =	vld.idx.msk [tilespmem:v0+s1+$0x0], $0xffff  }
0x17c: {  	v10 =	vld.idx.msk [tilespmem:v1+s1+$0x0], $0xffff  }
0x17d: {  	v5 =	vld.idx.msk [tilespmem:v2+s1+$0x0], $0xffff  }
0x17e: {  	v3 =	vld.idx.msk [tilespmem:v3+s1+$0x0], $0xffff  }
0x17f: {  	v0 =	vld.idx.msk [tilespmem:v4+s1+$0x0], $0xffff  }
0x180: {  	s2 =	simm.s32 $0x1C740;
	v1 =	vld.idx.msk [tilespmem:v6+s1+$0x0], $0xffff  }
0x181: {  	v2 =	vld.idx.msk [tilespmem:v7+s1+$0x0], $0xffff;
	[tilespmem:s2+$0x30] =	vst v9  }
0x182: {  	s3 =	simm.s32 $0x187C0;
	s25 =	simm.s32 $0x0;
	v4 =	vld.idx.msk [tilespmem:v8+s1+$0x0], $0xffff;
	[tilespmem:s2+$0xFFFFFFD0] =	vst v10  }
.LBB2_18:
0x183: {  	v6 =	vld [tilespmem:s3+$0x30];
	s25 =	sadd.s32 $0x80, s25;
	[tilespmem:s2+$0xFFFFFFE0] =	vst v5  }
0x184: {  	v5 =	vld [tilespmem:s3+$0xFFFFFFD0];
	p0 =	slt.u32 s25, $0x780;
	[tilespmem:s2+$0xFFFFFFF0] =	vst v3  }
0x185: {  	v3 =	vld [tilespmem:s3+$0xFFFFFFE0];
	[tilespmem:s2+$0x0] =	vst v0  }
0x186: {  	v0 =	vld [tilespmem:s3+$0xFFFFFFF0];
	[tilespmem:s2+$0x10] =	vst v1  }
0x187: {  	v1 =	vld [tilespmem:s3+$0x0];
	[tilespmem:s2+$0x20] =	vst v2  }
0x188: {  	v2 =	vld [tilespmem:s3+$0x10];
	[tilespmem:s2+$0xFFFFFFC0] =	vst v4  }
0x189: {  	v4 =	vld [tilespmem:s3+$0x20]  }
0x18a: {  	v7 =	vld [tilespmem:s3+$0xFFFFFFC0]  }
0x18b: {  	v6 =	vld.idx.msk [tilespmem:v6+s1+$0x0], $0xffff  }
0x18c: {  	v8 =	vld.idx.msk [tilespmem:v5+s1+$0x0], $0xffff  }
0x18d: {  	v5 =	vld.idx.msk [tilespmem:v3+s1+$0x0], $0xffff  }
.Ltmp8:
0x18e: {  	v3 =	vld.idx.msk [tilespmem:v0+s1+$0x0], $0xffff;
	(pc) =	sbr.rel @p0 .LBB2_18-.Ltmp8, $4  }
0x18f: {  	v0 =	vld.idx.msk [tilespmem:v1+s1+$0x0], $0xffff  }
0x190: {  	s2 =	sadd.s32 $0x80, s2;
	v1 =	vld.idx.msk [tilespmem:v2+s1+$0x0], $0xffff  }
0x191: {  	v2 =	vld.idx.msk [tilespmem:v4+s1+$0x0], $0xffff;
	[tilespmem:s2+$0x30] =	vst v6  }
0x192: {  	s3 =	sadd.s32 $0x80, s3;
	v4 =	vld.idx.msk [tilespmem:v7+s1+$0x0], $0xffff;
	[tilespmem:s2+$0xFFFFFFD0] =	vst v8  }
0x193: {  	[tilespmem:s2+$0xFFFFFFE0] =	vst v5  }
0x194: {  	[tilespmem:s2+$0xFFFFFFF0] =	vst v3  }
0x195: {  	[tilespmem:s2+$0x0] =	vst v0  }
0x196: {  	[tilespmem:s2+$0x10] =	vst v1  }
0x197: {  	[tilespmem:s2+$0x20] =	vst v2  }
0x198: {  	[tilespmem:s2+$0xFFFFFFC0] =	vst v4  }
0x199: {  	[hbm4b:s14+s23] =	stream.strided.scatter [tilespmem:s29], [sflag:$0x3], $0x800, s24, s23, $0x38;
	[tilespmem:$0x1D700] =	vst v63  }
0x19a: {  	_ =	swait.ge [sflag:s31], $0x800  }
0x19b: {  	[sflag:s31] =	ssyncset.done $0x0  }
0x19c: {  	s25 =	simm.s32 $0x18F70;
	[sflag:s31] =	ssyncadd.s32 $0xFFFFF800  }
0x19d: {  	v0 =	vld [tilespmem:s25+$0x0]  }
0x19e: {  	v1 =	vld [tilespmem:s25+$0xFFFFFFA0]  }
0x19f: {  	v2 =	vld [tilespmem:s25+$0xFFFFFFB0]  }
0x1a0: {  	v3 =	vld [tilespmem:s25+$0xFFFFFFC0]  }
0x1a1: {  	v4 =	vld [tilespmem:s25+$0xFFFFFFD0]  }
0x1a2: {  	v6 =	vld [tilespmem:s25+$0xFFFFFFE0]  }
0x1a3: {  	v7 =	vld [tilespmem:s25+$0xFFFFFFF0]  }
0x1a4: {  	v8 =	vld [tilespmem:s25+$0xFFFFFF90]  }
0x1a5: {  	v9 =	vld.idx.msk [tilespmem:v0+s1+$0x0], $0xffff  }
0x1a6: {  	v10 =	vld.idx.msk [tilespmem:v1+s1+$0x0], $0xffff  }
0x1a7: {  	v5 =	vld.idx.msk [tilespmem:v2+s1+$0x0], $0xffff  }
0x1a8: {  	v3 =	vld.idx.msk [tilespmem:v3+s1+$0x0], $0xffff  }
0x1a9: {  	v0 =	vld.idx.msk [tilespmem:v4+s1+$0x0], $0xffff  }
0x1aa: {  	s2 =	simm.s32 $0x1CF40;
	v1 =	vld.idx.msk [tilespmem:v6+s1+$0x0], $0xffff  }
0x1ab: {  	v2 =	vld.idx.msk [tilespmem:v7+s1+$0x0], $0xffff;
	[tilespmem:s2+$0x30] =	vst v9  }
0x1ac: {  	s3 =	simm.s32 $0x18FF0;
	s25 =	simm.s32 $0x0;
	v4 =	vld.idx.msk [tilespmem:v8+s1+$0x0], $0xffff;
	[tilespmem:s2+$0xFFFFFFD0] =	vst v10  }
.LBB2_20:
0x1ad: {  	v6 =	vld [tilespmem:s3+$0x0];
	s25 =	sadd.s32 $0x80, s25;
	[tilespmem:s2+$0xFFFFFFE0] =	vst v5  }
0x1ae: {  	v5 =	vld [tilespmem:s3+$0xFFFFFFA0];
	p0 =	slt.u32 s25, $0x780;
	[tilespmem:s2+$0xFFFFFFF0] =	vst v3  }
0x1af: {  	v3 =	vld [tilespmem:s3+$0xFFFFFFB0];
	[tilespmem:s2+$0x0] =	vst v0  }
0x1b0: {  	v0 =	vld [tilespmem:s3+$0xFFFFFFC0];
	[tilespmem:s2+$0x10] =	vst v1  }
0x1b1: {  	v1 =	vld [tilespmem:s3+$0xFFFFFFD0];
	[tilespmem:s2+$0x20] =	vst v2  }
0x1b2: {  	v2 =	vld [tilespmem:s3+$0xFFFFFFE0];
	[tilespmem:s2+$0xFFFFFFC0] =	vst v4  }
0x1b3: {  	v4 =	vld [tilespmem:s3+$0xFFFFFFF0]  }
0x1b4: {  	v7 =	vld [tilespmem:s3+$0xFFFFFF90]  }
0x1b5: {  	v6 =	vld.idx.msk [tilespmem:v6+s1+$0x0], $0xffff  }
0x1b6: {  	v8 =	vld.idx.msk [tilespmem:v5+s1+$0x0], $0xffff  }
0x1b7: {  	v5 =	vld.idx.msk [tilespmem:v3+s1+$0x0], $0xffff  }
.Ltmp9:
0x1b8: {  	v3 =	vld.idx.msk [tilespmem:v0+s1+$0x0], $0xffff;
	(pc) =	sbr.rel @p0 .LBB2_20-.Ltmp9, $4  }
0x1b9: {  	v0 =	vld.idx.msk [tilespmem:v1+s1+$0x0], $0xffff  }
0x1ba: {  	s2 =	sadd.s32 $0x80, s2;
	v1 =	vld.idx.msk [tilespmem:v2+s1+$0x0], $0xffff  }
0x1bb: {  	v2 =	vld.idx.msk [tilespmem:v4+s1+$0x0], $0xffff;
	[tilespmem:s2+$0x30] =	vst v6  }
0x1bc: {  	s3 =	sadd.s32 $0x80, s3;
	v4 =	vld.idx.msk [tilespmem:v7+s1+$0x0], $0xffff;
	[tilespmem:s2+$0xFFFFFFD0] =	vst v8  }
0x1bd: {  	[tilespmem:s2+$0xFFFFFFE0] =	vst v5  }
0x1be: {  	[tilespmem:s2+$0xFFFFFFF0] =	vst v3  }
0x1bf: {  	[tilespmem:s2+$0x0] =	vst v0  }
0x1c0: {  	[tilespmem:s2+$0x10] =	vst v1  }
0x1c1: {  	[tilespmem:s2+$0x20] =	vst v2  }
0x1c2: {  	[tilespmem:s2+$0xFFFFFFC0] =	vst v4  }
0x1c3: {  	[hbm4b:s15+s23] =	stream.strided.scatter [tilespmem:s30], [sflag:$0x3], $0x800, s24, s23, $0x38;
	[tilespmem:$0x1D700] =	vst v63  }
0x1c4: {  	_ =	swait.ge [sflag:s31], $0x800  }
0x1c5: {  	[sflag:s31] =	ssyncset.done $0x0  }
0x1c6: {  	s25 =	simm.s32 $0x19770;
	[sflag:s31] =	ssyncadd.s32 $0xFFFFF800  }
0x1c7: {  	v0 =	vld [tilespmem:s25+$0x0]  }
0x1c8: {  	v1 =	vld [tilespmem:s25+$0xFFFFFFA0]  }
0x1c9: {  	v2 =	vld [tilespmem:s25+$0xFFFFFFB0]  }
0x1ca: {  	v3 =	vld [tilespmem:s25+$0xFFFFFFC0]  }
0x1cb: {  	v4 =	vld [tilespmem:s25+$0xFFFFFFD0]  }
0x1cc: {  	v6 =	vld [tilespmem:s25+$0xFFFFFFE0]  }
0x1cd: {  	v7 =	vld [tilespmem:s25+$0xFFFFFFF0]  }
0x1ce: {  	v8 =	vld [tilespmem:s25+$0xFFFFFF90]  }
0x1cf: {  	v9 =	vld.idx.msk [tilespmem:v0+s1+$0x0], $0xffff  }
0x1d0: {  	v10 =	vld.idx.msk [tilespmem:v1+s1+$0x0], $0xffff  }
0x1d1: {  	v5 =	vld.idx.msk [tilespmem:v2+s1+$0x0], $0xffff  }
0x1d2: {  	v3 =	vld.idx.msk [tilespmem:v3+s1+$0x0], $0xffff  }
0x1d3: {  	v0 =	vld.idx.msk [tilespmem:v4+s1+$0x0], $0xffff  }
0x1d4: {  	s2 =	simm.s32 $0x1C740;
	v1 =	vld.idx.msk [tilespmem:v6+s1+$0x0], $0xffff  }
0x1d5: {  	v2 =	vld.idx.msk [tilespmem:v7+s1+$0x0], $0xffff;
	[tilespmem:s2+$0x30] =	vst v9  }
0x1d6: {  	s3 =	simm.s32 $0x197F0;
	s25 =	simm.s32 $0x0;
	v4 =	vld.idx.msk [tilespmem:v8+s1+$0x0], $0xffff;
	[tilespmem:s2+$0xFFFFFFD0] =	vst v10  }
.LBB2_22:
0x1d7: {  	v6 =	vld [tilespmem:s3+$0x0];
	s25 =	sadd.s32 $0x80, s25;
	[tilespmem:s2+$0xFFFFFFE0] =	vst v5  }
0x1d8: {  	v5 =	vld [tilespmem:s3+$0xFFFFFFA0];
	p0 =	slt.u32 s25, $0x780;
	[tilespmem:s2+$0xFFFFFFF0] =	vst v3  }
0x1d9: {  	v3 =	vld [tilespmem:s3+$0xFFFFFFB0];
	[tilespmem:s2+$0x0] =	vst v0  }
0x1da: {  	v0 =	vld [tilespmem:s3+$0xFFFFFFC0];
	[tilespmem:s2+$0x10] =	vst v1  }
0x1db: {  	v1 =	vld [tilespmem:s3+$0xFFFFFFD0];
	[tilespmem:s2+$0x20] =	vst v2  }
0x1dc: {  	v2 =	vld [tilespmem:s3+$0xFFFFFFE0];
	[tilespmem:s2+$0xFFFFFFC0] =	vst v4  }
0x1dd: {  	v4 =	vld [tilespmem:s3+$0xFFFFFFF0]  }
0x1de: {  	v7 =	vld [tilespmem:s3+$0xFFFFFF90]  }
0x1df: {  	v6 =	vld.idx.msk [tilespmem:v6+s1+$0x0], $0xffff  }
0x1e0: {  	v8 =	vld.idx.msk [tilespmem:v5+s1+$0x0], $0xffff  }
0x1e1: {  	v5 =	vld.idx.msk [tilespmem:v3+s1+$0x0], $0xffff  }
.Ltmp10:
0x1e2: {  	v3 =	vld.idx.msk [tilespmem:v0+s1+$0x0], $0xffff;
	(pc) =	sbr.rel @p0 .LBB2_22-.Ltmp10, $4  }
0x1e3: {  	v0 =	vld.idx.msk [tilespmem:v1+s1+$0x0], $0xffff  }
0x1e4: {  	s2 =	sadd.s32 $0x80, s2;
	v1 =	vld.idx.msk [tilespmem:v2+s1+$0x0], $0xffff  }
0x1e5: {  	v2 =	vld.idx.msk [tilespmem:v4+s1+$0x0], $0xffff;
	[tilespmem:s2+$0x30] =	vst v6  }
0x1e6: {  	s3 =	sadd.s32 $0x80, s3;
	v4 =	vld.idx.msk [tilespmem:v7+s1+$0x0], $0xffff;
	[tilespmem:s2+$0xFFFFFFD0] =	vst v8  }
0x1e7: {  	[tilespmem:s2+$0xFFFFFFE0] =	vst v5  }
0x1e8: {  	[tilespmem:s2+$0xFFFFFFF0] =	vst v3  }
0x1e9: {  	[tilespmem:s2+$0x0] =	vst v0  }
0x1ea: {  	[tilespmem:s2+$0x10] =	vst v1  }
0x1eb: {  	[tilespmem:s2+$0x20] =	vst v2  }
0x1ec: {  	[tilespmem:s2+$0xFFFFFFC0] =	vst v4  }
0x1ed: {  	[hbm4b:s16+s23] =	stream.strided.scatter [tilespmem:s29], [sflag:$0x3], $0x800, s24, s23, $0x38;
	[tilespmem:$0x1D700] =	vst v63  }
0x1ee: {  	_ =	swait.ge [sflag:s31], $0x800  }
0x1ef: {  	[sflag:s31] =	ssyncset.done $0x0  }
0x1f0: {  	s25 =	simm.s32 $0x19F70;
	[sflag:s31] =	ssyncadd.s32 $0xFFFFF800  }
0x1f1: {  	v0 =	vld [tilespmem:s25+$0x0]  }
0x1f2: {  	v1 =	vld [tilespmem:s25+$0xFFFFFFA0]  }
0x1f3: {  	v2 =	vld [tilespmem:s25+$0xFFFFFFB0]  }
0x1f4: {  	v3 =	vld [tilespmem:s25+$0xFFFFFFC0]  }
0x1f5: {  	v4 =	vld [tilespmem:s25+$0xFFFFFFD0]  }
0x1f6: {  	v6 =	vld [tilespmem:s25+$0xFFFFFFE0]  }
0x1f7: {  	v7 =	vld [tilespmem:s25+$0xFFFFFFF0]  }
0x1f8: {  	v8 =	vld [tilespmem:s25+$0xFFFFFF90]  }
0x1f9: {  	v9 =	vld.idx.msk [tilespmem:v0+s1+$0x0], $0xffff  }
0x1fa: {  	v10 =	vld.idx.msk [tilespmem:v1+s1+$0x0], $0xffff  }
0x1fb: {  	v5 =	vld.idx.msk [tilespmem:v2+s1+$0x0], $0xffff  }
0x1fc: {  	v3 =	vld.idx.msk [tilespmem:v3+s1+$0x0], $0xffff  }
0x1fd: {  	v0 =	vld.idx.msk [tilespmem:v4+s1+$0x0], $0xffff  }
0x1fe: {  	s2 =	simm.s32 $0x1CF40;
	v1 =	vld.idx.msk [tilespmem:v6+s1+$0x0], $0xffff  }
0x1ff: {  	v2 =	vld.idx.msk [tilespmem:v7+s1+$0x0], $0xffff;
	[tilespmem:s2+$0x30] =	vst v9  }
0x200: {  	s3 =	simm.s32 $0x19FF0;
	s25 =	simm.s32 $0x0;
	v4 =	vld.idx.msk [tilespmem:v8+s1+$0x0], $0xffff;
	[tilespmem:s2+$0xFFFFFFD0] =	vst v10  }
.LBB2_24:
0x201: {  	v6 =	vld [tilespmem:s3+$0x0];
	s25 =	sadd.s32 $0x80, s25;
	[tilespmem:s2+$0xFFFFFFE0] =	vst v5  }
0x202: {  	v5 =	vld [tilespmem:s3+$0xFFFFFFA0];
	p0 =	slt.u32 s25, $0x780;
	[tilespmem:s2+$0xFFFFFFF0] =	vst v3  }
0x203: {  	v3 =	vld [tilespmem:s3+$0xFFFFFFB0];
	[tilespmem:s2+$0x0] =	vst v0  }
0x204: {  	v0 =	vld [tilespmem:s3+$0xFFFFFFC0];
	[tilespmem:s2+$0x10] =	vst v1  }
0x205: {  	v1 =	vld [tilespmem:s3+$0xFFFFFFD0];
	[tilespmem:s2+$0x20] =	vst v2  }
0x206: {  	v2 =	vld [tilespmem:s3+$0xFFFFFFE0];
	[tilespmem:s2+$0xFFFFFFC0] =	vst v4  }
0x207: {  	v4 =	vld [tilespmem:s3+$0xFFFFFFF0]  }
0x208: {  	v7 =	vld [tilespmem:s3+$0xFFFFFF90]  }
0x209: {  	v6 =	vld.idx.msk [tilespmem:v6+s1+$0x0], $0xffff  }
0x20a: {  	v8 =	vld.idx.msk [tilespmem:v5+s1+$0x0], $0xffff  }
0x20b: {  	v5 =	vld.idx.msk [tilespmem:v3+s1+$0x0], $0xffff  }
.Ltmp11:
0x20c: {  	v3 =	vld.idx.msk [tilespmem:v0+s1+$0x0], $0xffff;
	(pc) =	sbr.rel @p0 .LBB2_24-.Ltmp11, $4  }
0x20d: {  	v0 =	vld.idx.msk [tilespmem:v1+s1+$0x0], $0xffff  }
0x20e: {  	s2 =	sadd.s32 $0x80, s2;
	v1 =	vld.idx.msk [tilespmem:v2+s1+$0x0], $0xffff  }
0x20f: {  	v2 =	vld.idx.msk [tilespmem:v4+s1+$0x0], $0xffff;
	[tilespmem:s2+$0x30] =	vst v6  }
0x210: {  	s3 =	sadd.s32 $0x80, s3;
	v4 =	vld.idx.msk [tilespmem:v7+s1+$0x0], $0xffff;
	[tilespmem:s2+$0xFFFFFFD0] =	vst v8  }
0x211: {  	[tilespmem:s2+$0xFFFFFFE0] =	vst v5  }
0x212: {  	[tilespmem:s2+$0xFFFFFFF0] =	vst v3  }
0x213: {  	[tilespmem:s2+$0x0] =	vst v0  }
0x214: {  	[tilespmem:s2+$0x10] =	vst v1  }
0x215: {  	[tilespmem:s2+$0x20] =	vst v2  }
0x216: {  	[tilespmem:s2+$0xFFFFFFC0] =	vst v4  }
0x217: {  	[hbm4b:s17+s23] =	stream.strided.scatter [tilespmem:s30], [sflag:$0x3], $0x800, s24, s23, $0x38;
	[tilespmem:$0x1D700] =	vst v63  }
0x218: {  	_ =	swait.ge [sflag:s31], $0x800  }
0x219: {  	[sflag:s31] =	ssyncset.done $0x0  }
0x21a: {  	s25 =	simm.s32 $0x1A770;
	[sflag:s31] =	ssyncadd.s32 $0xFFFFF800  }
0x21b: {  	v0 =	vld [tilespmem:s25+$0x0]  }
0x21c: {  	v1 =	vld [tilespmem:s25+$0xFFFFFFA0]  }
0x21d: {  	v2 =	vld [tilespmem:s25+$0xFFFFFFB0]  }
0x21e: {  	v3 =	vld [tilespmem:s25+$0xFFFFFFC0]  }
0x21f: {  	v4 =	vld [tilespmem:s25+$0xFFFFFFD0]  }
0x220: {  	v6 =	vld [tilespmem:s25+$0xFFFFFFE0]  }
0x221: {  	v7 =	vld [tilespmem:s25+$0xFFFFFFF0]  }
0x222: {  	v8 =	vld [tilespmem:s25+$0xFFFFFF90]  }
0x223: {  	v9 =	vld.idx.msk [tilespmem:v0+s1+$0x0], $0xffff  }
0x224: {  	v10 =	vld.idx.msk [tilespmem:v1+s1+$0x0], $0xffff  }
0x225: {  	v5 =	vld.idx.msk [tilespmem:v2+s1+$0x0], $0xffff  }
0x226: {  	v3 =	vld.idx.msk [tilespmem:v3+s1+$0x0], $0xffff  }
0x227: {  	v0 =	vld.idx.msk [tilespmem:v4+s1+$0x0], $0xffff  }
0x228: {  	s2 =	simm.s32 $0x1C740;
	v1 =	vld.idx.msk [tilespmem:v6+s1+$0x0], $0xffff  }
0x229: {  	v2 =	vld.idx.msk [tilespmem:v7+s1+$0x0], $0xffff;
	[tilespmem:s2+$0x30] =	vst v9  }
0x22a: {  	s3 =	simm.s32 $0x1A7F0;
	s25 =	simm.s32 $0x0;
	v4 =	vld.idx.msk [tilespmem:v8+s1+$0x0], $0xffff;
	[tilespmem:s2+$0xFFFFFFD0] =	vst v10  }
.LBB2_26:
0x22b: {  	v6 =	vld [tilespmem:s3+$0x0];
	s25 =	sadd.s32 $0x80, s25;
	[tilespmem:s2+$0xFFFFFFE0] =	vst v5  }
0x22c: {  	v5 =	vld [tilespmem:s3+$0xFFFFFFA0];
	p0 =	slt.u32 s25, $0x780;
	[tilespmem:s2+$0xFFFFFFF0] =	vst v3  }
0x22d: {  	v3 =	vld [tilespmem:s3+$0xFFFFFFB0];
	[tilespmem:s2+$0x0] =	vst v0  }
0x22e: {  	v0 =	vld [tilespmem:s3+$0xFFFFFFC0];
	[tilespmem:s2+$0x10] =	vst v1  }
0x22f: {  	v1 =	vld [tilespmem:s3+$0xFFFFFFD0];
	[tilespmem:s2+$0x20] =	vst v2  }
0x230: {  	v2 =	vld [tilespmem:s3+$0xFFFFFFE0];
	[tilespmem:s2+$0xFFFFFFC0] =	vst v4  }
0x231: {  	v4 =	vld [tilespmem:s3+$0xFFFFFFF0]  }
0x232: {  	v7 =	vld [tilespmem:s3+$0xFFFFFF90]  }
0x233: {  	v6 =	vld.idx.msk [tilespmem:v6+s1+$0x0], $0xffff  }
0x234: {  	v8 =	vld.idx.msk [tilespmem:v5+s1+$0x0], $0xffff  }
0x235: {  	v5 =	vld.idx.msk [tilespmem:v3+s1+$0x0], $0xffff  }
.Ltmp12:
0x236: {  	v3 =	vld.idx.msk [tilespmem:v0+s1+$0x0], $0xffff;
	(pc) =	sbr.rel @p0 .LBB2_26-.Ltmp12, $4  }
0x237: {  	v0 =	vld.idx.msk [tilespmem:v1+s1+$0x0], $0xffff  }
0x238: {  	s2 =	sadd.s32 $0x80, s2;
	v1 =	vld.idx.msk [tilespmem:v2+s1+$0x0], $0xffff  }
0x239: {  	v2 =	vld.idx.msk [tilespmem:v4+s1+$0x0], $0xffff;
	[tilespmem:s2+$0x30] =	vst v6  }
0x23a: {  	s3 =	sadd.s32 $0x80, s3;
	v4 =	vld.idx.msk [tilespmem:v7+s1+$0x0], $0xffff;
	[tilespmem:s2+$0xFFFFFFD0] =	vst v8  }
0x23b: {  	[tilespmem:s2+$0xFFFFFFE0] =	vst v5  }
0x23c: {  	[tilespmem:s2+$0xFFFFFFF0] =	vst v3  }
0x23d: {  	[tilespmem:s2+$0x0] =	vst v0  }
0x23e: {  	[tilespmem:s2+$0x10] =	vst v1  }
0x23f: {  	[tilespmem:s2+$0x20] =	vst v2  }
0x240: {  	[tilespmem:s2+$0xFFFFFFC0] =	vst v4  }
0x241: {  	[hbm4b:s18+s23] =	stream.strided.scatter [tilespmem:s29], [sflag:$0x3], $0x800, s24, s23, $0x38;
	[tilespmem:$0x1D700] =	vst v63  }
0x242: {  	_ =	swait.ge [sflag:s31], $0x800  }
0x243: {  	[sflag:s31] =	ssyncset.done $0x0  }
0x244: {  	s25 =	simm.s32 $0x1AF70;
	[sflag:s31] =	ssyncadd.s32 $0xFFFFF800  }
0x245: {  	v0 =	vld [tilespmem:s25+$0x0]  }
0x246: {  	v1 =	vld [tilespmem:s25+$0xFFFFFFA0]  }
0x247: {  	v2 =	vld [tilespmem:s25+$0xFFFFFFB0]  }
0x248: {  	v3 =	vld [tilespmem:s25+$0xFFFFFFC0]  }
0x249: {  	v4 =	vld [tilespmem:s25+$0xFFFFFFD0]  }
0x24a: {  	v6 =	vld [tilespmem:s25+$0xFFFFFFE0]  }
0x24b: {  	v7 =	vld [tilespmem:s25+$0xFFFFFFF0]  }
0x24c: {  	v8 =	vld [tilespmem:s25+$0xFFFFFF90]  }
0x24d: {  	v9 =	vld.idx.msk [tilespmem:v0+s1+$0x0], $0xffff  }
0x24e: {  	v10 =	vld.idx.msk [tilespmem:v1+s1+$0x0], $0xffff  }
0x24f: {  	v5 =	vld.idx.msk [tilespmem:v2+s1+$0x0], $0xffff  }
0x250: {  	v3 =	vld.idx.msk [tilespmem:v3+s1+$0x0], $0xffff  }
0x251: {  	v0 =	vld.idx.msk [tilespmem:v4+s1+$0x0], $0xffff  }
0x252: {  	s2 =	simm.s32 $0x1CF40;
	v1 =	vld.idx.msk [tilespmem:v6+s1+$0x0], $0xffff  }
0x253: {  	v2 =	vld.idx.msk [tilespmem:v7+s1+$0x0], $0xffff;
	[tilespmem:s2+$0x30] =	vst v9  }
0x254: {  	s3 =	simm.s32 $0x1AFF0;
	s25 =	simm.s32 $0x0;
	v4 =	vld.idx.msk [tilespmem:v8+s1+$0x0], $0xffff;
	[tilespmem:s2+$0xFFFFFFD0] =	vst v10  }
.LBB2_28:
0x255: {  	v6 =	vld [tilespmem:s3+$0x0];
	s25 =	sadd.s32 $0x80, s25;
	[tilespmem:s2+$0xFFFFFFE0] =	vst v5  }
0x256: {  	v5 =	vld [tilespmem:s3+$0xFFFFFFA0];
	p0 =	slt.u32 s25, $0x780;
	[tilespmem:s2+$0xFFFFFFF0] =	vst v3  }
0x257: {  	v3 =	vld [tilespmem:s3+$0xFFFFFFB0];
	[tilespmem:s2+$0x0] =	vst v0  }
0x258: {  	v0 =	vld [tilespmem:s3+$0xFFFFFFC0];
	[tilespmem:s2+$0x10] =	vst v1  }
0x259: {  	v1 =	vld [tilespmem:s3+$0xFFFFFFD0];
	[tilespmem:s2+$0x20] =	vst v2  }
0x25a: {  	v2 =	vld [tilespmem:s3+$0xFFFFFFE0];
	[tilespmem:s2+$0xFFFFFFC0] =	vst v4  }
0x25b: {  	v4 =	vld [tilespmem:s3+$0xFFFFFFF0]  }
0x25c: {  	v7 =	vld [tilespmem:s3+$0xFFFFFF90]  }
0x25d: {  	v6 =	vld.idx.msk [tilespmem:v6+s1+$0x0], $0xffff  }
0x25e: {  	v8 =	vld.idx.msk [tilespmem:v5+s1+$0x0], $0xffff  }
0x25f: {  	v5 =	vld.idx.msk [tilespmem:v3+s1+$0x0], $0xffff  }
.Ltmp13:
0x260: {  	v3 =	vld.idx.msk [tilespmem:v0+s1+$0x0], $0xffff;
	(pc) =	sbr.rel @p0 .LBB2_28-.Ltmp13, $4  }
0x261: {  	v0 =	vld.idx.msk [tilespmem:v1+s1+$0x0], $0xffff  }
0x262: {  	s2 =	sadd.s32 $0x80, s2;
	v1 =	vld.idx.msk [tilespmem:v2+s1+$0x0], $0xffff  }
0x263: {  	v2 =	vld.idx.msk [tilespmem:v4+s1+$0x0], $0xffff;
	[tilespmem:s2+$0x30] =	vst v6  }
0x264: {  	s3 =	sadd.s32 $0x80, s3;
	v4 =	vld.idx.msk [tilespmem:v7+s1+$0x0], $0xffff;
	[tilespmem:s2+$0xFFFFFFD0] =	vst v8  }
0x265: {  	[tilespmem:s2+$0xFFFFFFE0] =	vst v5  }
0x266: {  	[tilespmem:s2+$0xFFFFFFF0] =	vst v3  }
0x267: {  	[tilespmem:s2+$0x0] =	vst v0  }
0x268: {  	[tilespmem:s2+$0x10] =	vst v1  }
0x269: {  	[tilespmem:s2+$0x20] =	vst v2  }
0x26a: {  	[tilespmem:s2+$0xFFFFFFC0] =	vst v4  }
0x26b: {  	[hbm4b:s19+s23] =	stream.strided.scatter [tilespmem:s30], [sflag:$0x3], $0x800, s24, s23, $0x38;
	[tilespmem:$0x1D700] =	vst v63  }
0x26c: {  	_ =	swait.ge [sflag:s31], $0x800  }
0x26d: {  	[sflag:s31] =	ssyncset.done $0x0  }
0x26e: {  	s25 =	simm.s32 $0x1B770;
	[sflag:s31] =	ssyncadd.s32 $0xFFFFF800  }
0x26f: {  	v0 =	vld [tilespmem:s25+$0x0]  }
0x270: {  	v1 =	vld [tilespmem:s25+$0xFFFFFFA0]  }
0x271: {  	v2 =	vld [tilespmem:s25+$0xFFFFFFB0]  }
0x272: {  	v3 =	vld [tilespmem:s25+$0xFFFFFFC0]  }
0x273: {  	v4 =	vld [tilespmem:s25+$0xFFFFFFD0]  }
0x274: {  	v6 =	vld [tilespmem:s25+$0xFFFFFFE0]  }
0x275: {  	v7 =	vld [tilespmem:s25+$0xFFFFFFF0]  }
0x276: {  	v8 =	vld [tilespmem:s25+$0xFFFFFF90]  }
0x277: {  	v9 =	vld.idx.msk [tilespmem:v0+s1+$0x0], $0xffff  }
0x278: {  	v10 =	vld.idx.msk [tilespmem:v1+s1+$0x0], $0xffff  }
0x279: {  	v5 =	vld.idx.msk [tilespmem:v2+s1+$0x0], $0xffff  }
0x27a: {  	v3 =	vld.idx.msk [tilespmem:v3+s1+$0x0], $0xffff  }
0x27b: {  	v0 =	vld.idx.msk [tilespmem:v4+s1+$0x0], $0xffff  }
0x27c: {  	s2 =	simm.s32 $0x1C740;
	v1 =	vld.idx.msk [tilespmem:v6+s1+$0x0], $0xffff  }
0x27d: {  	v2 =	vld.idx.msk [tilespmem:v7+s1+$0x0], $0xffff;
	[tilespmem:s2+$0x30] =	vst v9  }
0x27e: {  	s3 =	simm.s32 $0x1B7F0;
	s25 =	simm.s32 $0x0;
	v4 =	vld.idx.msk [tilespmem:v8+s1+$0x0], $0xffff;
	[tilespmem:s2+$0xFFFFFFD0] =	vst v10  }
.LBB2_30:
0x27f: {  	v6 =	vld [tilespmem:s3+$0x0];
	s25 =	sadd.s32 $0x80, s25;
	[tilespmem:s2+$0xFFFFFFE0] =	vst v5  }
0x280: {  	v5 =	vld [tilespmem:s3+$0xFFFFFFA0];
	p0 =	slt.u32 s25, $0x780;
	[tilespmem:s2+$0xFFFFFFF0] =	vst v3  }
0x281: {  	v3 =	vld [tilespmem:s3+$0xFFFFFFB0];
	[tilespmem:s2+$0x0] =	vst v0  }
0x282: {  	v0 =	vld [tilespmem:s3+$0xFFFFFFC0];
	[tilespmem:s2+$0x10] =	vst v1  }
0x283: {  	v1 =	vld [tilespmem:s3+$0xFFFFFFD0];
	[tilespmem:s2+$0x20] =	vst v2  }
0x284: {  	v2 =	vld [tilespmem:s3+$0xFFFFFFE0];
	[tilespmem:s2+$0xFFFFFFC0] =	vst v4  }
0x285: {  	v4 =	vld [tilespmem:s3+$0xFFFFFFF0]  }
0x286: {  	v7 =	vld [tilespmem:s3+$0xFFFFFF90]  }
0x287: {  	v6 =	vld.idx.msk [tilespmem:v6+s1+$0x0], $0xffff  }
0x288: {  	v8 =	vld.idx.msk [tilespmem:v5+s1+$0x0], $0xffff  }
0x289: {  	v5 =	vld.idx.msk [tilespmem:v3+s1+$0x0], $0xffff  }
.Ltmp14:
0x28a: {  	v3 =	vld.idx.msk [tilespmem:v0+s1+$0x0], $0xffff;
	(pc) =	sbr.rel @p0 .LBB2_30-.Ltmp14, $4  }
0x28b: {  	v0 =	vld.idx.msk [tilespmem:v1+s1+$0x0], $0xffff  }
0x28c: {  	s2 =	sadd.s32 $0x80, s2;
	v1 =	vld.idx.msk [tilespmem:v2+s1+$0x0], $0xffff  }
0x28d: {  	v2 =	vld.idx.msk [tilespmem:v4+s1+$0x0], $0xffff;
	[tilespmem:s2+$0x30] =	vst v6  }
0x28e: {  	s3 =	sadd.s32 $0x80, s3;
	v4 =	vld.idx.msk [tilespmem:v7+s1+$0x0], $0xffff;
	[tilespmem:s2+$0xFFFFFFD0] =	vst v8  }
0x28f: {  	[tilespmem:s2+$0xFFFFFFE0] =	vst v5  }
0x290: {  	[tilespmem:s2+$0xFFFFFFF0] =	vst v3  }
0x291: {  	[tilespmem:s2+$0x0] =	vst v0  }
0x292: {  	[tilespmem:s2+$0x10] =	vst v1  }
0x293: {  	[tilespmem:s2+$0x20] =	vst v2  }
0x294: {  	[tilespmem:s2+$0xFFFFFFC0] =	vst v4  }
0x295: {  	[hbm4b:s20+s23] =	stream.strided.scatter [tilespmem:s29], [sflag:$0x3], $0x800, s24, s23, $0x38;
	[tilespmem:$0x1D700] =	vst v63  }
0x296: {  	_ =	swait.ge [sflag:s31], $0x800  }
0x297: {  	[sflag:s31] =	ssyncset.done $0x0  }
0x298: {  	s25 =	simm.s32 $0x1BF70;
	[sflag:s31] =	ssyncadd.s32 $0xFFFFF800  }
0x299: {  	v0 =	vld [tilespmem:s25+$0x0]  }
0x29a: {  	v1 =	vld [tilespmem:s25+$0xFFFFFFA0]  }
0x29b: {  	v2 =	vld [tilespmem:s25+$0xFFFFFFB0]  }
0x29c: {  	v3 =	vld [tilespmem:s25+$0xFFFFFFC0]  }
0x29d: {  	v4 =	vld [tilespmem:s25+$0xFFFFFFD0]  }
0x29e: {  	v6 =	vld [tilespmem:s25+$0xFFFFFFE0]  }
0x29f: {  	v7 =	vld [tilespmem:s25+$0xFFFFFFF0]  }
0x2a0: {  	v8 =	vld [tilespmem:s25+$0xFFFFFF90]  }
0x2a1: {  	v9 =	vld.idx.msk [tilespmem:v0+s1+$0x0], $0xffff  }
0x2a2: {  	v10 =	vld.idx.msk [tilespmem:v1+s1+$0x0], $0xffff  }
0x2a3: {  	v5 =	vld.idx.msk [tilespmem:v2+s1+$0x0], $0xffff  }
0x2a4: {  	v3 =	vld.idx.msk [tilespmem:v3+s1+$0x0], $0xffff  }
0x2a5: {  	v0 =	vld.idx.msk [tilespmem:v4+s1+$0x0], $0xffff  }
0x2a6: {  	s2 =	simm.s32 $0x1CF40;
	v1 =	vld.idx.msk [tilespmem:v6+s1+$0x0], $0xffff  }
0x2a7: {  	v2 =	vld.idx.msk [tilespmem:v7+s1+$0x0], $0xffff;
	[tilespmem:s2+$0x30] =	vst v9  }
0x2a8: {  	s3 =	simm.s32 $0x1BFF0;
	s25 =	simm.s32 $0x0;
	v4 =	vld.idx.msk [tilespmem:v8+s1+$0x0], $0xffff;
	[tilespmem:s2+$0xFFFFFFD0] =	vst v10  }
.LBB2_32:
0x2a9: {  	v6 =	vld [tilespmem:s3+$0x0];
	s25 =	sadd.s32 $0x80, s25;
	[tilespmem:s2+$0xFFFFFFE0] =	vst v5  }
0x2aa: {  	v5 =	vld [tilespmem:s3+$0xFFFFFFA0];
	p0 =	slt.u32 s25, $0x780;
	[tilespmem:s2+$0xFFFFFFF0] =	vst v3  }
0x2ab: {  	v3 =	vld [tilespmem:s3+$0xFFFFFFB0];
	[tilespmem:s2+$0x0] =	vst v0  }
0x2ac: {  	v0 =	vld [tilespmem:s3+$0xFFFFFFC0];
	[tilespmem:s2+$0x10] =	vst v1  }
0x2ad: {  	v1 =	vld [tilespmem:s3+$0xFFFFFFD0];
	[tilespmem:s2+$0x20] =	vst v2  }
0x2ae: {  	v2 =	vld [tilespmem:s3+$0xFFFFFFE0];
	[tilespmem:s2+$0xFFFFFFC0] =	vst v4  }
0x2af: {  	v4 =	vld [tilespmem:s3+$0xFFFFFFF0]  }
0x2b0: {  	v7 =	vld [tilespmem:s3+$0xFFFFFF90]  }
0x2b1: {  	v6 =	vld.idx.msk [tilespmem:v6+s1+$0x0], $0xffff  }
0x2b2: {  	v8 =	vld.idx.msk [tilespmem:v5+s1+$0x0], $0xffff  }
0x2b3: {  	v5 =	vld.idx.msk [tilespmem:v3+s1+$0x0], $0xffff  }
.Ltmp15:
0x2b4: {  	v3 =	vld.idx.msk [tilespmem:v0+s1+$0x0], $0xffff;
	(pc) =	sbr.rel @p0 .LBB2_32-.Ltmp15, $4  }
0x2b5: {  	v0 =	vld.idx.msk [tilespmem:v1+s1+$0x0], $0xffff  }
0x2b6: {  	s2 =	sadd.s32 $0x80, s2;
	v1 =	vld.idx.msk [tilespmem:v2+s1+$0x0], $0xffff  }
0x2b7: {  	v2 =	vld.idx.msk [tilespmem:v4+s1+$0x0], $0xffff;
	[tilespmem:s2+$0x30] =	vst v6  }
0x2b8: {  	s3 =	sadd.s32 $0x80, s3;
	v4 =	vld.idx.msk [tilespmem:v7+s1+$0x0], $0xffff;
	[tilespmem:s2+$0xFFFFFFD0] =	vst v8  }
0x2b9: {  	[tilespmem:s2+$0xFFFFFFE0] =	vst v5  }
0x2ba: {  	[tilespmem:s2+$0xFFFFFFF0] =	vst v3  }
0x2bb: {  	[tilespmem:s2+$0x0] =	vst v0  }
0x2bc: {  	[tilespmem:s2+$0x10] =	vst v1  }
0x2bd: {  	[tilespmem:s2+$0x20] =	vst v2  }
0x2be: {  	s0 =	sadd.s32 $0x1, s0;
	[tilespmem:s2+$0xFFFFFFC0] =	vst v4  }
0x2bf: {  	[hbm4b:s21+s23] =	stream.strided.scatter [tilespmem:s30], [sflag:$0x3], $0x800, s24, s23, $0x38;
	[tilespmem:$0x1D700] =	vst v63  }
0x2c0: {  	p0 =	sne.s32 s0, s22;
	_ =	swait.ge [sflag:s31], $0x800  }
.Ltmp16:
0x2c1: {  	[sflag:s31] =	ssyncset.done $0x0;
	(pc) =	sbr.rel @p0 .LBB2_1-.Ltmp16, $4  }
0x2c2: {  	[sflag:s31] =	ssyncadd.s32 $0xFFFFF800  }
0x2c3: {  	_ =	swait.ge [sflag:s31], $0x800  }
0x2c4: {  	[sflag:s31] =	ssyncset.done $0x0  }
0x2c5: {  	[sflag:s31] =	ssyncadd.s32 $0xFFFFF800  }
0x2c6: {  	_ =	sfence.sel $0x180000  }
0x2c7: {  	[bflag:$0x0] =	sbarrier.arrive $0xFFFF  }
0x2c8: {  	_ =	strace $0x90000047  }
0x2c9: {  	s0 =	stileid.u32;
	[bflag:$0x2] =	sbarrier.arrive $0xFFFF  }
0x2ca: {  	p0 =	sne.s32 s0, $0x0;
	s0 =	rddreg [dreg:$0x3]  }
0x2cb: {  	s0 =	sadd.s32 @!p0 $0x100000, s0  }
0x2cc: {  	[sflag:s0] =	ssyncadd.tile.s32 @!p0 $0x1;
	_ =	shalt  }
.Lfunc_end2:
_tile_overlayer_lowered:
.L_overlay_start_2:
0x2cd: {  	(tag) =	ssettag $0x2  }
0x2ce: {  	s0 =	rddreg [dreg:$0x0];
	s2 =	stileid.u32  }
0x2cf: {  	s1 =	rddreg [dreg:$0x1];
	p0 =	sne.s32 s2, $0x0  }
0x2d0: {  	s3 =	rddreg [dreg:$0x2];
	[bflag:$0x3] =	sbarrier.arrive $0xFFFF;
	s2 =	simm.s32 @!p0 $0x1C04  }
0x2d1: {  	[timem:s3], [sflag:s2] =	dma.local @!p0 [hbm:s0], s1  }
0x2d2: {  	s0 =	simm.s32 @!p0 $0x4  }
0x2d3: {  	_ =	swait.ge @!p0 [sflag:s0], s1  }
0x2d4: {  	s1 =	ssub.s32 @!p0 $0x0, s1;
	[sflag:s0] =	ssyncset.done @!p0 $0x0  }
0x2d5: {  	[sflag:s0] =	ssyncadd.s32 @!p0 s1  }
0x2d6: {  	[bflag:$0x3] =	sbarrier.arrive $0xFFFF  }
0x2d7: {  	_ =	shalt  }

</sc_bundles>
